<compile_context>
chip_gen: v7x
topology: tpu7x:2x2x1
jax: 0.10.2.dev20260603
libtpu: 0.0.44.dev20260713+nightly
codegen_flags: <defaults>
</compile_context>

<pallas_src>
import functools

import jax
import jax.numpy as jnp
from jax import lax
from jax.experimental import pallas as pl
from jax.experimental.pallas import tpu as pltpu
from jax.experimental.pallas import tpu_sc as plsc

_NC = 2
_NS = 16
_NW = _NC * _NS
_L = 16

_CHUNK = 16384
_UNROLL = 8
_NACC = 2

_SC_FRAC_NUM, _SC_FRAC_DEN = 1, 2
_BR = 512


def _make_sc_count(n_sc):
    per_worker = n_sc // _NW
    n_chunks = per_worker // _CHUNK
    groups = _CHUNK // _L
    mesh = plsc.VectorSubcoreMesh(core_axis_name="c", subcore_axis_name="s")

    @functools.partial(
        pl.kernel,
        mesh=mesh,
        out_type=jax.ShapeDtypeStruct((_NW, 2, _L), jnp.int32),
        scratch_types=[
            pltpu.VMEM((2, _CHUNK), jnp.float32),
            pltpu.VMEM((2, _CHUNK), jnp.int32),
            pltpu.VMEM((2, _L), jnp.int32),
            pltpu.SemaphoreType.DMA,
            pltpu.SemaphoreType.DMA,
        ],
    )
    def sc_count(x_hbm, t_hbm, out_hbm, xbuf, tbuf, accbuf, sem0, sem1):
        wid = lax.axis_index("s") * _NC + lax.axis_index("c")
        base = wid * per_worker
        sems = (sem0, sem1)

        def copies(c, slot):
            off = base + c * _CHUNK
            return (
                pltpu.make_async_copy(
                    x_hbm.at[pl.ds(off, _CHUNK)], xbuf.at[slot], sems[slot]),
                pltpu.make_async_copy(
                    t_hbm.at[pl.ds(off, _CHUNK)], tbuf.at[slot], sems[slot]),
            )

        for cp in copies(0, 0):
            cp.start()

        zero = jnp.zeros((_L,), jnp.int32)
        acc = (zero,) * (2 * _NACC)

        def make_group_body(slot, xb, tb):
            def group_body(g, gcarry):
                accs = list(gcarry)
                for u in range(_UNROLL):
                    off = g * (_L * _UNROLL) + u * _L
                    vx = xb[slot, pl.ds(off, _L)]
                    vt = tb[slot, pl.ds(off, _L)]
                    m = (vx < 0.5) & (vt == 0)
                    k = u % _NACC
                    accs[k] = accs[k] + jnp.where(m, 1, 0)
                    accs[_NACC + k] = accs[_NACC + k] + vt
                return tuple(accs)
            return group_body

        def pair_body(p, pcarry):
            pacc = pcarry
            for s in range(2):
                c = p * 2 + s
                nxt = c + 1

                @pl.when(nxt < n_chunks)
                def _(nxt=nxt, s=s):
                    for cp in copies(nxt, (s + 1) % 2):
                        cp.start()

                for cp in copies(c, s):
                    cp.wait()
                pacc = lax.fori_loop(
                    0, groups // _UNROLL, make_group_body(s, xbuf, tbuf), pacc)
            return pacc

        acc = lax.fori_loop(0, n_chunks // 2, pair_body, acc)

        accbuf[0, :] = functools.reduce(lambda a, b: a + b, acc[:_NACC])
        accbuf[1, :] = functools.reduce(lambda a, b: a + b, acc[_NACC:])
        pltpu.sync_copy(accbuf, out_hbm.at[wid])

    return sc_count


def _make_tc_count(rows, row_off):
    grid = rows // _BR
    blk_off = row_off // _BR

    def body(x_ref, t_ref, tn_ref, st_ref, acc_tn, acc_st):
        @pl.when(pl.program_id(0) == 0)
        def _():
            acc_tn[...] = jnp.zeros_like(acc_tn)
            acc_st[...] = jnp.zeros_like(acc_st)

        x = x_ref[...]
        t = t_ref[...]
        m = (x < 0.5) & (t == 0)
        acc_tn[...] += jnp.sum(m.astype(jnp.float32), axis=0)
        acc_st[...] += jnp.sum(t.astype(jnp.float32), axis=0)

        @pl.when(pl.program_id(0) == grid - 1)
        def _():
            tn_ref[0, 0] = jnp.sum(acc_tn[...])
            st_ref[0, 0] = jnp.sum(acc_st[...])

    return pl.pallas_call(
        body,
        grid=(grid,),
        in_specs=[
            pl.BlockSpec((_BR, 8, 128), lambda i: (i + blk_off, 0, 0)),
            pl.BlockSpec((_BR, 8, 128), lambda i: (i + blk_off, 0, 0)),
        ],
        out_specs=[
            pl.BlockSpec(memory_space=pltpu.SMEM),
            pl.BlockSpec(memory_space=pltpu.SMEM),
        ],
        out_shape=[
            jax.ShapeDtypeStruct((1, 1), jnp.float32),
            jax.ShapeDtypeStruct((1, 1), jnp.float32),
        ],
        scratch_shapes=[
            pltpu.VMEM((8, 128), jnp.float32),
            pltpu.VMEM((8, 128), jnp.float32),
        ],
        compiler_params=pltpu.CompilerParams(
            dimension_semantics=("arbitrary",),
        ),
    )


def kernel(inputs, targets):
    n = inputs.shape[0]
    n_sc = (n * _SC_FRAC_NUM // _SC_FRAC_DEN) // (_NW * _CHUNK) * (_NW * _CHUNK)
    n_tc = n - n_sc
    rows = n_tc // 1024

    parts = _make_sc_count(n_sc)(inputs, targets)
    xr = inputs.reshape(n // 1024, 8, 128)
    tr = targets.reshape(n // 1024, 8, 128)
    tn_v, st_v = _make_tc_count(rows, n_sc // 1024)(xr, tr)

    tn = parts[:, 0, :].sum().astype(jnp.float32) + tn_v[0, 0]
    st = parts[:, 1, :].sum().astype(jnp.float32) + st_v[0, 0]
    t0 = n - st
    return tn / jnp.clip(t0, 1e-12)

# --- scband reference (transcript-rebuilt; emitter-appended) ---
"""Pipeline reference for scband-true-negative-rate-64218351009885 (READ-ONLY COPY).

The authoritative reference and input builder live on the scoring server;
editing this copy changes nothing except your own understanding.
"""

import jax, jax.numpy as jnp
import numpy as np

N = 4194304

def setup_inputs(seed: int = 0) -> dict:
    key = jax.random.key(seed)
    k1, k2 = jax.random.split(key)
    inputs = jax.random.uniform(k1, (N,), dtype=jnp.float32)
    targets = jax.random.randint(k2, (N,), 0, 2, dtype=jnp.int32)
    return {"inputs": inputs, "targets": targets}

def reference(inputs, targets):
    # torchmetrics ConfusionMatrix(num_classes=2, normalize='true'):
    # float preds are thresholded at 0.5 to get predicted labels;
    # cm[i, j] = count(target == i & pred == j); rows normalized by true-class counts.
    pred = (inputs >= 0.5).astype(jnp.int32)
    tgt = targets.astype(jnp.int32)
    bin_idx = tgt * 2 + pred  # in [0, 4)
    counts = jax.ops.segment_sum(jnp.ones_like(inputs, dtype=jnp.float32), bin_idx, num_segments=4)
    cm = counts.reshape(2, 2)
    row_sums = jnp.clip(cm.sum(axis=1, keepdims=True), 1e-12, None)
    cm_norm = cm / row_sums
    # TNR = cm_norm[0][0] = TN / (TN + FP)
    return cm_norm[0, 0]

if __name__ == "__main__":
    import jax
    _d = setup_inputs()
    print(jax.jit(kernel)(*tuple(_d.values())))

</pallas_src>

<mosaic_0001>
#map = affine_map<(d0, d1) -> (0)>
#map1 = affine_map<(d0, d1) -> (0, 0, 0)>
module attributes {stable_mosaic.version = 14 : i64} {
  func.func @sc_count(%arg0: i32, %arg1: i32, %arg2: memref<4194304xf32, #tpu.memory_space<hbm>>, %arg3: memref<4194304xi32, #tpu.memory_space<hbm>>, %arg4: memref<32x2x16xi32, #tpu.memory_space<hbm>>, %arg5: memref<2x16384xf32, #tpu.memory_space<vmem>>, %arg6: memref<2x16384xi32, #tpu.memory_space<vmem>>, %arg7: memref<2x16xi32, #tpu.memory_space<vmem>>, %arg8: memref<!tpu.dma_semaphore, #tpu.memory_space<semaphore_mem>>, %arg9: memref<!tpu.dma_semaphore, #tpu.memory_space<semaphore_mem>>) attributes {dimension_semantics = [#tpu.dimension_semantics<core_parallel>, #tpu.dimension_semantics<subcore_parallel>], iteration_bounds = array<i64: 2, 16>, scalar_prefetch = 0 : i64, scratch_operands = 5 : i64, tpu.core_type = #tpu.core_type<sc_vector_subcore>, window_params = [{transform_indices = #map}, {transform_indices = #map}, {transform_indices = #map1}]} {
    %mul3A = arith.constant 2 : i32
    %mul3A_0 = arith.muli %arg1, %mul3A : i32
    %add3A = arith.addi %mul3A_0, %arg0 : i32
    %mul3A_1 = arith.constant 65536 : i32
    %mul3A_2 = arith.muli %add3A, %mul3A_1 : i32
    %add3A_3 = arith.constant 0 : i32
    %add3A_4 = arith.addi %mul3A_2, %add3A_3 : i32
    %dma_start3A = arith.constant 0 : i32
    %dma_start3A_5 = arith.constant 0 : i32
    %dma_start3A_6 = tpu.memref_slice %arg5[%dma_start3A, %dma_start3A_5] : memref<2x16384xf32, #tpu.memory_space<vmem>> -> memref<1x16384xf32, #tpu.memory_space<vmem>>
    %dma_start3A_7 = tpu.memref_squeeze %dma_start3A_6 : memref<1x16384xf32, #tpu.memory_space<vmem>> -> memref<16384xf32, #tpu.memory_space<vmem>>
    %dma_start3A_8 = tpu.memref_slice %arg2[%add3A_4] : memref<4194304xf32, #tpu.memory_space<hbm>> -> memref<16384xf32, #tpu.memory_space<hbm>>
    %dma_start3A_9 = arith.constant 0 : i32
    %dma_start3A_10 = tpu.memref_slice %arg5[%dma_start3A, %dma_start3A_9] : memref<2x16384xf32, #tpu.memory_space<vmem>> -> memref<1x16384xf32, #tpu.memory_space<vmem>>
    %dma_start3A_11 = tpu.memref_squeeze %dma_start3A_10 : memref<1x16384xf32, #tpu.memory_space<vmem>> -> memref<16384xf32, #tpu.memory_space<vmem>>
    %dma_start3A_12 = tpu.memref_slice %arg2[%add3A_4] : memref<4194304xf32, #tpu.memory_space<hbm>> -> memref<16384xf32, #tpu.memory_space<hbm>>
    tpu.enqueue_dma source(%dma_start3A_12 : memref<16384xf32, #tpu.memory_space<hbm>>) target(%dma_start3A_11 : memref<16384xf32, #tpu.memory_space<vmem>>) target_semaphore(%arg8 : memref<!tpu.dma_semaphore, #tpu.memory_space<semaphore_mem>>)
    %dma_start3A_13 = arith.constant 0 : i32
    %dma_start3A_14 = arith.constant 0 : i32
    %dma_start3A_15 = tpu.memref_slice %arg6[%dma_start3A_13, %dma_start3A_14] : memref<2x16384xi32, #tpu.memory_space<vmem>> -> memref<1x16384xi32, #tpu.memory_space<vmem>>
    %dma_start3A_16 = tpu.memref_squeeze %dma_start3A_15 : memref<1x16384xi32, #tpu.memory_space<vmem>> -> memref<16384xi32, #tpu.memory_space<vmem>>
    %dma_start3A_17 = tpu.memref_slice %arg3[%add3A_4] : memref<4194304xi32, #tpu.memory_space<hbm>> -> memref<16384xi32, #tpu.memory_space<hbm>>
    %dma_start3A_18 = arith.constant 0 : i32
    %dma_start3A_19 = tpu.memref_slice %arg6[%dma_start3A_13, %dma_start3A_18] : memref<2x16384xi32, #tpu.memory_space<vmem>> -> memref<1x16384xi32, #tpu.memory_space<vmem>>
    %dma_start3A_20 = tpu.memref_squeeze %dma_start3A_19 : memref<1x16384xi32, #tpu.memory_space<vmem>> -> memref<16384xi32, #tpu.memory_space<vmem>>
    %dma_start3A_21 = tpu.memref_slice %arg3[%add3A_4] : memref<4194304xi32, #tpu.memory_space<hbm>> -> memref<16384xi32, #tpu.memory_space<hbm>>
    tpu.enqueue_dma source(%dma_start3A_21 : memref<16384xi32, #tpu.memory_space<hbm>>) target(%dma_start3A_20 : memref<16384xi32, #tpu.memory_space<vmem>>) target_semaphore(%arg8 : memref<!tpu.dma_semaphore, #tpu.memory_space<semaphore_mem>>)
    %broadcast_in_dim3A = arith.constant 0 : i32
    %broadcast_in_dim3A_22 = vector.broadcast %broadcast_in_dim3A : i32 to vector<16xi32>
    %scan3A = arith.constant 0 : i32
    %scan3A_23 = arith.constant 2 : i32
    %scan3A_24 = arith.addi %scan3A, %scan3A_23 : i32
    %scan3A_25 = arith.constant 1 : i32
    %scan3A_26:4 = scf.for %scan3A_41 = %scan3A to %scan3A_24 step %scan3A_25 iter_args(%scan3A_42 = %broadcast_in_dim3A_22, %scan3A_43 = %broadcast_in_dim3A_22, %scan3A_44 = %broadcast_in_dim3A_22, %scan3A_45 = %broadcast_in_dim3A_22) -> (vector<16xi32>, vector<16xi32>, vector<16xi32>, vector<16xi32>)  : i32 {
      %mul3A_46 = arith.constant 2 : i32
      %mul3A_47 = arith.muli %scan3A_41, %mul3A_46 : i32
      %add3A_48 = arith.constant 0 : i32
      %add3A_49 = arith.addi %mul3A_47, %add3A_48 : i32
      %add3A_50 = arith.constant 1 : i32
      %add3A_51 = arith.addi %add3A_49, %add3A_50 : i32
      %lt3A = arith.constant 4 : i32
      %lt3A_52 = arith.cmpi slt, %add3A_51, %lt3A : i32
      %convert_element_type3A = arith.extui %lt3A_52 : i1 to i32
      %cond3A = arith.constant 0 : i32
      %cond3A_53 = arith.cmpi ne, %convert_element_type3A, %cond3A : i32
      scf.if %cond3A_53 {
        %mul3A_118 = arith.constant 16384 : i32
        %mul3A_119 = arith.muli %add3A_51, %mul3A_118 : i32
        %add3A_120 = arith.addi %mul3A_2, %mul3A_119 : i32
        %dma_start3A_121 = arith.constant 1 : i32
        %dma_start3A_122 = arith.constant 0 : i32
        %dma_start3A_123 = tpu.memref_slice %arg5[%dma_start3A_121, %dma_start3A_122] : memref<2x16384xf32, #tpu.memory_space<vmem>> -> memref<1x16384xf32, #tpu.memory_space<vmem>>
        %dma_start3A_124 = tpu.memref_squeeze %dma_start3A_123 : memref<1x16384xf32, #tpu.memory_space<vmem>> -> memref<16384xf32, #tpu.memory_space<vmem>>
        %dma_start3A_125 = tpu.memref_slice %arg2[%add3A_120] : memref<4194304xf32, #tpu.memory_space<hbm>> -> memref<16384xf32, #tpu.memory_space<hbm>>
        %dma_start3A_126 = arith.constant 0 : i32
        %dma_start3A_127 = tpu.memref_slice %arg5[%dma_start3A_121, %dma_start3A_126] : memref<2x16384xf32, #tpu.memory_space<vmem>> -> memref<1x16384xf32, #tpu.memory_space<vmem>>
        %dma_start3A_128 = tpu.memref_squeeze %dma_start3A_127 : memref<1x16384xf32, #tpu.memory_space<vmem>> -> memref<16384xf32, #tpu.memory_space<vmem>>
        %dma_start3A_129 = tpu.memref_slice %arg2[%add3A_120] : memref<4194304xf32, #tpu.memory_space<hbm>> -> memref<16384xf32, #tpu.memory_space<hbm>>
        tpu.enqueue_dma source(%dma_start3A_129 : memref<16384xf32, #tpu.memory_space<hbm>>) target(%dma_start3A_128 : memref<16384xf32, #tpu.memory_space<vmem>>) target_semaphore(%arg9 : memref<!tpu.dma_semaphore, #tpu.memory_space<semaphore_mem>>)
        %dma_start3A_130 = arith.constant 1 : i32
        %dma_start3A_131 = arith.constant 0 : i32
        %dma_start3A_132 = tpu.memref_slice %arg6[%dma_start3A_130, %dma_start3A_131] : memref<2x16384xi32, #tpu.memory_space<vmem>> -> memref<1x16384xi32, #tpu.memory_space<vmem>>
        %dma_start3A_133 = tpu.memref_squeeze %dma_start3A_132 : memref<1x16384xi32, #tpu.memory_space<vmem>> -> memref<16384xi32, #tpu.memory_space<vmem>>
        %dma_start3A_134 = tpu.memref_slice %arg3[%add3A_120] : memref<4194304xi32, #tpu.memory_space<hbm>> -> memref<16384xi32, #tpu.memory_space<hbm>>
        %dma_start3A_135 = arith.constant 0 : i32
        %dma_start3A_136 = tpu.memref_slice %arg6[%dma_start3A_130, %dma_start3A_135] : memref<2x16384xi32, #tpu.memory_space<vmem>> -> memref<1x16384xi32, #tpu.memory_space<vmem>>
        %dma_start3A_137 = tpu.memref_squeeze %dma_start3A_136 : memref<1x16384xi32, #tpu.memory_space<vmem>> -> memref<16384xi32, #tpu.memory_space<vmem>>
        %dma_start3A_138 = tpu.memref_slice %arg3[%add3A_120] : memref<4194304xi32, #tpu.memory_space<hbm>> -> memref<16384xi32, #tpu.memory_space<hbm>>
        tpu.enqueue_dma source(%dma_start3A_138 : memref<16384xi32, #tpu.memory_space<hbm>>) target(%dma_start3A_137 : memref<16384xi32, #tpu.memory_space<vmem>>) target_semaphore(%arg9 : memref<!tpu.dma_semaphore, #tpu.memory_space<semaphore_mem>>)
      } else {
      }
      %mul3A_54 = arith.constant 16384 : i32
      %mul3A_55 = arith.muli %add3A_49, %mul3A_54 : i32
      %add3A_56 = arith.addi %mul3A_2, %mul3A_55 : i32
      %dma_wait3A = arith.constant 0 : i32
      %dma_wait3A_57 = arith.constant 0 : i32
      %dma_wait3A_58 = tpu.memref_slice %arg5[%dma_wait3A, %dma_wait3A_57] : memref<2x16384xf32, #tpu.memory_space<vmem>> -> memref<1x16384xf32, #tpu.memory_space<vmem>>
      %dma_wait3A_59 = tpu.memref_squeeze %dma_wait3A_58 : memref<1x16384xf32, #tpu.memory_space<vmem>> -> memref<16384xf32, #tpu.memory_space<vmem>>
      %dma_wait3A_60 = tpu.memref_slice %arg2[%add3A_56] : memref<4194304xf32, #tpu.memory_space<hbm>> -> memref<16384xf32, #tpu.memory_space<hbm>>
      %dma_wait3A_61 = arith.constant 0 : i32
      %dma_wait3A_62 = tpu.memref_slice %arg5[%dma_wait3A, %dma_wait3A_61] : memref<2x16384xf32, #tpu.memory_space<vmem>> -> memref<1x16384xf32, #tpu.memory_space<vmem>>
      %dma_wait3A_63 = tpu.memref_squeeze %dma_wait3A_62 : memref<1x16384xf32, #tpu.memory_space<vmem>> -> memref<16384xf32, #tpu.memory_space<vmem>>
      %dma_wait3A_64 = tpu.memref_slice %arg2[%add3A_56] : memref<4194304xf32, #tpu.memory_space<hbm>> -> memref<16384xf32, #tpu.memory_space<hbm>>
      tpu.wait_dma2 semaphore(%arg8 : memref<!tpu.dma_semaphore, #tpu.memory_space<semaphore_mem>>) src(%dma_wait3A_64 : memref<16384xf32, #tpu.memory_space<hbm>>) dst(%dma_wait3A_63 : memref<16384xf32, #tpu.memory_space<vmem>>)
      %dma_wait3A_65 = arith.constant 0 : i32
      %dma_wait3A_66 = arith.constant 0 : i32
      %dma_wait3A_67 = tpu.memref_slice %arg6[%dma_wait3A_65, %dma_wait3A_66] : memref<2x16384xi32, #tpu.memory_space<vmem>> -> memref<1x16384xi32, #tpu.memory_space<vmem>>
      %dma_wait3A_68 = tpu.memref_squeeze %dma_wait3A_67 : memref<1x16384xi32, #tpu.memory_space<vmem>> -> memref<16384xi32, #tpu.memory_space<vmem>>
      %dma_wait3A_69 = tpu.memref_slice %arg3[%add3A_56] : memref<4194304xi32, #tpu.memory_space<hbm>> -> memref<16384xi32, #tpu.memory_space<hbm>>
      %dma_wait3A_70 = arith.constant 0 : i32
      %dma_wait3A_71 = tpu.memref_slice %arg6[%dma_wait3A_65, %dma_wait3A_70] : memref<2x16384xi32, #tpu.memory_space<vmem>> -> memref<1x16384xi32, #tpu.memory_space<vmem>>
      %dma_wait3A_72 = tpu.memref_squeeze %dma_wait3A_71 : memref<1x16384xi32, #tpu.memory_space<vmem>> -> memref<16384xi32, #tpu.memory_space<vmem>>
      %dma_wait3A_73 = tpu.memref_slice %arg3[%add3A_56] : memref<4194304xi32, #tpu.memory_space<hbm>> -> memref<16384xi32, #tpu.memory_space<hbm>>
      tpu.wait_dma2 semaphore(%arg8 : memref<!tpu.dma_semaphore, #tpu.memory_space<semaphore_mem>>) src(%dma_wait3A_73 : memref<16384xi32, #tpu.memory_space<hbm>>) dst(%dma_wait3A_72 : memref<16384xi32, #tpu.memory_space<vmem>>)
      %scan3A_74 = arith.constant 0 : i32
      %scan3A_75 = arith.constant 128 : i32
      %scan3A_76 = arith.addi %scan3A_74, %scan3A_75 : i32
      %scan3A_77 = arith.constant 1 : i32
      %scan3A_78:4 = scf.for %scan3A_118 = %scan3A_74 to %scan3A_76 step %scan3A_77 iter_args(%scan3A_119 = %scan3A_42, %scan3A_120 = %scan3A_43, %scan3A_121 = %scan3A_44, %scan3A_122 = %scan3A_45) -> (vector<16xi32>, vector<16xi32>, vector<16xi32>, vector<16xi32>)  : i32 {
        %mul3A_123 = arith.constant 128 : i32
        %mul3A_124 = arith.muli %scan3A_118, %mul3A_123 : i32
        %add3A_125 = arith.constant 0 : i32
        %add3A_126 = arith.addi %mul3A_124, %add3A_125 : i32
        %get3A = arith.constant 0 : i32
        %get3A_127 = arith.index_cast %get3A : i32 to index
        %get3A_128 = arith.index_cast %add3A_126 : i32 to index
        %get3A_129 = tpu.vector_load %arg5[%get3A_127, %get3A_128] {strides = array<i32>} : memref<2x16384xf32, #tpu.memory_space<vmem>>, vector<1x16xf32>,
        %get3A_130 = vector.shape_cast %get3A_129 : vector<1x16xf32> to vector<16xf32>
        %get3A_131 = arith.constant 0 : i32
        %get3A_132 = arith.index_cast %get3A_131 : i32 to index
        %get3A_133 = arith.index_cast %add3A_126 : i32 to index
        %get3A_134 = tpu.vector_load %arg6[%get3A_132, %get3A_133] {strides = array<i32>} : memref<2x16384xi32, #tpu.memory_space<vmem>>, vector<1x16xi32>,
        %get3A_135 = vector.shape_cast %get3A_134 : vector<1x16xi32> to vector<16xi32>
        %lt3A_136 = arith.constant 5.000000e-01 : f32
        %lt3A_137 = vector.broadcast %lt3A_136 : f32 to vector<16xf32>
        %lt3A_138 = arith.cmpf olt, %get3A_130, %lt3A_137 : vector<16xf32>
        %eq3A = arith.constant 0 : i32
        %eq3A_139 = vector.broadcast %eq3A : i32 to vector<16xi32>
        %eq3A_140 = arith.cmpi eq, %get3A_135, %eq3A_139 : vector<16xi32>
        %and3A = arith.andi %lt3A_138, %eq3A_140 : vector<16xi1>
        %jit3A = arith.constant 1 : i32
        %jit3A_141 = arith.constant 0 : i32
        %broadcast_in_dim3A_142 = vector.broadcast %jit3A : i32 to vector<16xi32>
        %broadcast_in_dim3A_143 = vector.broadcast %jit3A_141 : i32 to vector<16xi32>
        %select_n3A = arith.select %and3A, %broadcast_in_dim3A_142, %broadcast_in_dim3A_143 : vector<16xi1>, vector<16xi32>
        %add3A_144 = arith.addi %scan3A_119, %select_n3A : vector<16xi32>
        %add3A_145 = arith.addi %scan3A_121, %get3A_135 : vector<16xi32>
        %mul3A_146 = arith.constant 128 : i32
        %mul3A_147 = arith.muli %scan3A_118, %mul3A_146 : i32
        %add3A_148 = arith.constant 16 : i32
        %add3A_149 = arith.addi %mul3A_147, %add3A_148 : i32
        %get3A_150 = arith.constant 0 : i32
        %get3A_151 = arith.index_cast %get3A_150 : i32 to index
        %get3A_152 = arith.index_cast %add3A_149 : i32 to index
        %get3A_153 = tpu.vector_load %arg5[%get3A_151, %get3A_152] {strides = array<i32>} : memref<2x16384xf32, #tpu.memory_space<vmem>>, vector<1x16xf32>,
        %get3A_154 = vector.shape_cast %get3A_153 : vector<1x16xf32> to vector<16xf32>
        %get3A_155 = arith.constant 0 : i32
        %get3A_156 = arith.index_cast %get3A_155 : i32 to index
        %get3A_157 = arith.index_cast %add3A_149 : i32 to index
        %get3A_158 = tpu.vector_load %arg6[%get3A_156, %get3A_157] {strides = array<i32>} : memref<2x16384xi32, #tpu.memory_space<vmem>>, vector<1x16xi32>,
        %get3A_159 = vector.shape_cast %get3A_158 : vector<1x16xi32> to vector<16xi32>
        %lt3A_160 = arith.constant 5.000000e-01 : f32
        %lt3A_161 = vector.broadcast %lt3A_160 : f32 to vector<16xf32>
        %lt3A_162 = arith.cmpf olt, %get3A_154, %lt3A_161 : vector<16xf32>
        %eq3A_163 = arith.constant 0 : i32
        %eq3A_164 = vector.broadcast %eq3A_163 : i32 to vector<16xi32>
        %eq3A_165 = arith.cmpi eq, %get3A_159, %eq3A_164 : vector<16xi32>
        %and3A_166 = arith.andi %lt3A_162, %eq3A_165 : vector<16xi1>
        %jit3A_167 = arith.constant 1 : i32
        %jit3A_168 = arith.constant 0 : i32
        %broadcast_in_dim3A_169 = vector.broadcast %jit3A_167 : i32 to vector<16xi32>
        %broadcast_in_dim3A_170 = vector.broadcast %jit3A_168 : i32 to vector<16xi32>
        %select_n3A_171 = arith.select %and3A_166, %broadcast_in_dim3A_169, %broadcast_in_dim3A_170 : vector<16xi1>, vector<16xi32>
        %add3A_172 = arith.addi %scan3A_120, %select_n3A_171 : vector<16xi32>
        %add3A_173 = arith.addi %scan3A_122, %get3A_159 : vector<16xi32>
        %mul3A_174 = arith.constant 128 : i32
        %mul3A_175 = arith.muli %scan3A_118, %mul3A_174 : i32
        %add3A_176 = arith.constant 32 : i32
        %add3A_177 = arith.addi %mul3A_175, %add3A_176 : i32
        %get3A_178 = arith.constant 0 : i32
        %get3A_179 = arith.index_cast %get3A_178 : i32 to index
        %get3A_180 = arith.index_cast %add3A_177 : i32 to index
        %get3A_181 = tpu.vector_load %arg5[%get3A_179, %get3A_180] {strides = array<i32>} : memref<2x16384xf32, #tpu.memory_space<vmem>>, vector<1x16xf32>,
        %get3A_182 = vector.shape_cast %get3A_181 : vector<1x16xf32> to vector<16xf32>
        %get3A_183 = arith.constant 0 : i32
        %get3A_184 = arith.index_cast %get3A_183 : i32 to index
        %get3A_185 = arith.index_cast %add3A_177 : i32 to index
        %get3A_186 = tpu.vector_load %arg6[%get3A_184, %get3A_185] {strides = array<i32>} : memref<2x16384xi32, #tpu.memory_space<vmem>>, vector<1x16xi32>,
        %get3A_187 = vector.shape_cast %get3A_186 : vector<1x16xi32> to vector<16xi32>
        %lt3A_188 = arith.constant 5.000000e-01 : f32
        %lt3A_189 = vector.broadcast %lt3A_188 : f32 to vector<16xf32>
        %lt3A_190 = arith.cmpf olt, %get3A_182, %lt3A_189 : vector<16xf32>
        %eq3A_191 = arith.constant 0 : i32
        %eq3A_192 = vector.broadcast %eq3A_191 : i32 to vector<16xi32>
        %eq3A_193 = arith.cmpi eq, %get3A_187, %eq3A_192 : vector<16xi32>
        %and3A_194 = arith.andi %lt3A_190, %eq3A_193 : vector<16xi1>
        %jit3A_195 = arith.constant 1 : i32
        %jit3A_196 = arith.constant 0 : i32
        %broadcast_in_dim3A_197 = vector.broadcast %jit3A_195 : i32 to vector<16xi32>
        %broadcast_in_dim3A_198 = vector.broadcast %jit3A_196 : i32 to vector<16xi32>
        %select_n3A_199 = arith.select %and3A_194, %broadcast_in_dim3A_197, %broadcast_in_dim3A_198 : vector<16xi1>, vector<16xi32>
        %add3A_200 = arith.addi %add3A_144, %select_n3A_199 : vector<16xi32>
        %add3A_201 = arith.addi %add3A_145, %get3A_187 : vector<16xi32>
        %mul3A_202 = arith.constant 128 : i32
        %mul3A_203 = arith.muli %scan3A_118, %mul3A_202 : i32
        %add3A_204 = arith.constant 48 : i32
        %add3A_205 = arith.addi %mul3A_203, %add3A_204 : i32
        %get3A_206 = arith.constant 0 : i32
        %get3A_207 = arith.index_cast %get3A_206 : i32 to index
        %get3A_208 = arith.index_cast %add3A_205 : i32 to index
        %get3A_209 = tpu.vector_load %arg5[%get3A_207, %get3A_208] {strides = array<i32>} : memref<2x16384xf32, #tpu.memory_space<vmem>>, vector<1x16xf32>,
        %get3A_210 = vector.shape_cast %get3A_209 : vector<1x16xf32> to vector<16xf32>
        %get3A_211 = arith.constant 0 : i32
        %get3A_212 = arith.index_cast %get3A_211 : i32 to index
        %get3A_213 = arith.index_cast %add3A_205 : i32 to index
        %get3A_214 = tpu.vector_load %arg6[%get3A_212, %get3A_213] {strides = array<i32>} : memref<2x16384xi32, #tpu.memory_space<vmem>>, vector<1x16xi32>,
        %get3A_215 = vector.shape_cast %get3A_214 : vector<1x16xi32> to vector<16xi32>
        %lt3A_216 = arith.constant 5.000000e-01 : f32
        %lt3A_217 = vector.broadcast %lt3A_216 : f32 to vector<16xf32>
        %lt3A_218 = arith.cmpf olt, %get3A_210, %lt3A_217 : vector<16xf32>
        %eq3A_219 = arith.constant 0 : i32
        %eq3A_220 = vector.broadcast %eq3A_219 : i32 to vector<16xi32>
        %eq3A_221 = arith.cmpi eq, %get3A_215, %eq3A_220 : vector<16xi32>
        %and3A_222 = arith.andi %lt3A_218, %eq3A_221 : vector<16xi1>
        %jit3A_223 = arith.constant 1 : i32
        %jit3A_224 = arith.constant 0 : i32
        %broadcast_in_dim3A_225 = vector.broadcast %jit3A_223 : i32 to vector<16xi32>
        %broadcast_in_dim3A_226 = vector.broadcast %jit3A_224 : i32 to vector<16xi32>
        %select_n3A_227 = arith.select %and3A_222, %broadcast_in_dim3A_225, %broadcast_in_dim3A_226 : vector<16xi1>, vector<16xi32>
        %add3A_228 = arith.addi %add3A_172, %select_n3A_227 : vector<16xi32>
        %add3A_229 = arith.addi %add3A_173, %get3A_215 : vector<16xi32>
        %mul3A_230 = arith.constant 128 : i32
        %mul3A_231 = arith.muli %scan3A_118, %mul3A_230 : i32
        %add3A_232 = arith.constant 64 : i32
        %add3A_233 = arith.addi %mul3A_231, %add3A_232 : i32
        %get3A_234 = arith.constant 0 : i32
        %get3A_235 = arith.index_cast %get3A_234 : i32 to index
        %get3A_236 = arith.index_cast %add3A_233 : i32 to index
        %get3A_237 = tpu.vector_load %arg5[%get3A_235, %get3A_236] {strides = array<i32>} : memref<2x16384xf32, #tpu.memory_space<vmem>>, vector<1x16xf32>,
        %get3A_238 = vector.shape_cast %get3A_237 : vector<1x16xf32> to vector<16xf32>
        %get3A_239 = arith.constant 0 : i32
        %get3A_240 = arith.index_cast %get3A_239 : i32 to index
        %get3A_241 = arith.index_cast %add3A_233 : i32 to index
        %get3A_242 = tpu.vector_load %arg6[%get3A_240, %get3A_241] {strides = array<i32>} : memref<2x16384xi32, #tpu.memory_space<vmem>>, vector<1x16xi32>,
        %get3A_243 = vector.shape_cast %get3A_242 : vector<1x16xi32> to vector<16xi32>
        %lt3A_244 = arith.constant 5.000000e-01 : f32
        %lt3A_245 = vector.broadcast %lt3A_244 : f32 to vector<16xf32>
        %lt3A_246 = arith.cmpf olt, %get3A_238, %lt3A_245 : vector<16xf32>
        %eq3A_247 = arith.constant 0 : i32
        %eq3A_248 = vector.broadcast %eq3A_247 : i32 to vector<16xi32>
        %eq3A_249 = arith.cmpi eq, %get3A_243, %eq3A_248 : vector<16xi32>
        %and3A_250 = arith.andi %lt3A_246, %eq3A_249 : vector<16xi1>
        %jit3A_251 = arith.constant 1 : i32
        %jit3A_252 = arith.constant 0 : i32
        %broadcast_in_dim3A_253 = vector.broadcast %jit3A_251 : i32 to vector<16xi32>
        %broadcast_in_dim3A_254 = vector.broadcast %jit3A_252 : i32 to vector<16xi32>
        %select_n3A_255 = arith.select %and3A_250, %broadcast_in_dim3A_253, %broadcast_in_dim3A_254 : vector<16xi1>, vector<16xi32>
        %add3A_256 = arith.addi %add3A_200, %select_n3A_255 : vector<16xi32>
        %add3A_257 = arith.addi %add3A_201, %get3A_243 : vector<16xi32>
        %mul3A_258 = arith.constant 128 : i32
        %mul3A_259 = arith.muli %scan3A_118, %mul3A_258 : i32
        %add3A_260 = arith.constant 80 : i32
        %add3A_261 = arith.addi %mul3A_259, %add3A_260 : i32
        %get3A_262 = arith.constant 0 : i32
        %get3A_263 = arith.index_cast %get3A_262 : i32 to index
        %get3A_264 = arith.index_cast %add3A_261 : i32 to index
        %get3A_265 = tpu.vector_load %arg5[%get3A_263, %get3A_264] {strides = array<i32>} : memref<2x16384xf32, #tpu.memory_space<vmem>>, vector<1x16xf32>,
        %get3A_266 = vector.shape_cast %get3A_265 : vector<1x16xf32> to vector<16xf32>
        %get3A_267 = arith.constant 0 : i32
        %get3A_268 = arith.index_cast %get3A_267 : i32 to index
        %get3A_269 = arith.index_cast %add3A_261 : i32 to index
        %get3A_270 = tpu.vector_load %arg6[%get3A_268, %get3A_269] {strides = array<i32>} : memref<2x16384xi32, #tpu.memory_space<vmem>>, vector<1x16xi32>,
        %get3A_271 = vector.shape_cast %get3A_270 : vector<1x16xi32> to vector<16xi32>
        %lt3A_272 = arith.constant 5.000000e-01 : f32
        %lt3A_273 = vector.broadcast %lt3A_272 : f32 to vector<16xf32>
        %lt3A_274 = arith.cmpf olt, %get3A_266, %lt3A_273 : vector<16xf32>
        %eq3A_275 = arith.constant 0 : i32
        %eq3A_276 = vector.broadcast %eq3A_275 : i32 to vector<16xi32>
        %eq3A_277 = arith.cmpi eq, %get3A_271, %eq3A_276 : vector<16xi32>
        %and3A_278 = arith.andi %lt3A_274, %eq3A_277 : vector<16xi1>
        %jit3A_279 = arith.constant 1 : i32
        %jit3A_280 = arith.constant 0 : i32
        %broadcast_in_dim3A_281 = vector.broadcast %jit3A_279 : i32 to vector<16xi32>
        %broadcast_in_dim3A_282 = vector.broadcast %jit3A_280 : i32 to vector<16xi32>
        %select_n3A_283 = arith.select %and3A_278, %broadcast_in_dim3A_281, %broadcast_in_dim3A_282 : vector<16xi1>, vector<16xi32>
        %add3A_284 = arith.addi %add3A_228, %select_n3A_283 : vector<16xi32>
        %add3A_285 = arith.addi %add3A_229, %get3A_271 : vector<16xi32>
        %mul3A_286 = arith.constant 128 : i32
        %mul3A_287 = arith.muli %scan3A_118, %mul3A_286 : i32
        %add3A_288 = arith.constant 96 : i32
        %add3A_289 = arith.addi %mul3A_287, %add3A_288 : i32
        %get3A_290 = arith.constant 0 : i32
        %get3A_291 = arith.index_cast %get3A_290 : i32 to index
        %get3A_292 = arith.index_cast %add3A_289 : i32 to index
        %get3A_293 = tpu.vector_load %arg5[%get3A_291, %get3A_292] {strides = array<i32>} : memref<2x16384xf32, #tpu.memory_space<vmem>>, vector<1x16xf32>,
        %get3A_294 = vector.shape_cast %get3A_293 : vector<1x16xf32> to vector<16xf32>
        %get3A_295 = arith.constant 0 : i32
        %get3A_296 = arith.index_cast %get3A_295 : i32 to index
        %get3A_297 = arith.index_cast %add3A_289 : i32 to index
        %get3A_298 = tpu.vector_load %arg6[%get3A_296, %get3A_297] {strides = array<i32>} : memref<2x16384xi32, #tpu.memory_space<vmem>>, vector<1x16xi32>,
        %get3A_299 = vector.shape_cast %get3A_298 : vector<1x16xi32> to vector<16xi32>
        %lt3A_300 = arith.constant 5.000000e-01 : f32
        %lt3A_301 = vector.broadcast %lt3A_300 : f32 to vector<16xf32>
        %lt3A_302 = arith.cmpf olt, %get3A_294, %lt3A_301 : vector<16xf32>
        %eq3A_303 = arith.constant 0 : i32
        %eq3A_304 = vector.broadcast %eq3A_303 : i32 to vector<16xi32>
        %eq3A_305 = arith.cmpi eq, %get3A_299, %eq3A_304 : vector<16xi32>
        %and3A_306 = arith.andi %lt3A_302, %eq3A_305 : vector<16xi1>
        %jit3A_307 = arith.constant 1 : i32
        %jit3A_308 = arith.constant 0 : i32
        %broadcast_in_dim3A_309 = vector.broadcast %jit3A_307 : i32 to vector<16xi32>
        %broadcast_in_dim3A_310 = vector.broadcast %jit3A_308 : i32 to vector<16xi32>
        %select_n3A_311 = arith.select %and3A_306, %broadcast_in_dim3A_309, %broadcast_in_dim3A_310 : vector<16xi1>, vector<16xi32>
        %add3A_312 = arith.addi %add3A_256, %select_n3A_311 : vector<16xi32>
        %add3A_313 = arith.addi %add3A_257, %get3A_299 : vector<16xi32>
        %mul3A_314 = arith.constant 128 : i32
        %mul3A_315 = arith.muli %scan3A_118, %mul3A_314 : i32
        %add3A_316 = arith.constant 112 : i32
        %add3A_317 = arith.addi %mul3A_315, %add3A_316 : i32
        %get3A_318 = arith.constant 0 : i32
        %get3A_319 = arith.index_cast %get3A_318 : i32 to index
        %get3A_320 = arith.index_cast %add3A_317 : i32 to index
        %get3A_321 = tpu.vector_load %arg5[%get3A_319, %get3A_320] {strides = array<i32>} : memref<2x16384xf32, #tpu.memory_space<vmem>>, vector<1x16xf32>,
        %get3A_322 = vector.shape_cast %get3A_321 : vector<1x16xf32> to vector<16xf32>
        %get3A_323 = arith.constant 0 : i32
        %get3A_324 = arith.index_cast %get3A_323 : i32 to index
        %get3A_325 = arith.index_cast %add3A_317 : i32 to index
        %get3A_326 = tpu.vector_load %arg6[%get3A_324, %get3A_325] {strides = array<i32>} : memref<2x16384xi32, #tpu.memory_space<vmem>>, vector<1x16xi32>,
        %get3A_327 = vector.shape_cast %get3A_326 : vector<1x16xi32> to vector<16xi32>
        %lt3A_328 = arith.constant 5.000000e-01 : f32
        %lt3A_329 = vector.broadcast %lt3A_328 : f32 to vector<16xf32>
        %lt3A_330 = arith.cmpf olt, %get3A_322, %lt3A_329 : vector<16xf32>
        %eq3A_331 = arith.constant 0 : i32
        %eq3A_332 = vector.broadcast %eq3A_331 : i32 to vector<16xi32>
        %eq3A_333 = arith.cmpi eq, %get3A_327, %eq3A_332 : vector<16xi32>
        %and3A_334 = arith.andi %lt3A_330, %eq3A_333 : vector<16xi1>
        %jit3A_335 = arith.constant 1 : i32
        %jit3A_336 = arith.constant 0 : i32
        %broadcast_in_dim3A_337 = vector.broadcast %jit3A_335 : i32 to vector<16xi32>
        %broadcast_in_dim3A_338 = vector.broadcast %jit3A_336 : i32 to vector<16xi32>
        %select_n3A_339 = arith.select %and3A_334, %broadcast_in_dim3A_337, %broadcast_in_dim3A_338 : vector<16xi1>, vector<16xi32>
        %add3A_340 = arith.addi %add3A_284, %select_n3A_339 : vector<16xi32>
        %add3A_341 = arith.addi %add3A_285, %get3A_327 : vector<16xi32>
        scf.yield %add3A_312, %add3A_340, %add3A_313, %add3A_341 : vector<16xi32>, vector<16xi32>, vector<16xi32>, vector<16xi32>
      }
      %scan3A_79 = arith.constant 128 : i32
      %mul3A_80 = arith.constant 2 : i32
      %mul3A_81 = arith.muli %scan3A_41, %mul3A_80 : i32
      %add3A_82 = arith.constant 1 : i32
      %add3A_83 = arith.addi %mul3A_81, %add3A_82 : i32
      %add3A_84 = arith.constant 1 : i32
      %add3A_85 = arith.addi %add3A_83, %add3A_84 : i32
      %lt3A_86 = arith.constant 4 : i32
      %lt3A_87 = arith.cmpi slt, %add3A_85, %lt3A_86 : i32
      %convert_element_type3A_88 = arith.extui %lt3A_87 : i1 to i32
      %cond3A_89 = arith.constant 0 : i32
      %cond3A_90 = arith.cmpi ne, %convert_element_type3A_88, %cond3A_89 : i32
      scf.if %cond3A_90 {
        %mul3A_118 = arith.constant 16384 : i32
        %mul3A_119 = arith.muli %add3A_85, %mul3A_118 : i32
        %add3A_120 = arith.addi %mul3A_2, %mul3A_119 : i32
        %dma_start3A_121 = arith.constant 0 : i32
        %dma_start3A_122 = arith.constant 0 : i32
        %dma_start3A_123 = tpu.memref_slice %arg5[%dma_start3A_121, %dma_start3A_122] : memref<2x16384xf32, #tpu.memory_space<vmem>> -> memref<1x16384xf32, #tpu.memory_space<vmem>>
        %dma_start3A_124 = tpu.memref_squeeze %dma_start3A_123 : memref<1x16384xf32, #tpu.memory_space<vmem>> -> memref<16384xf32, #tpu.memory_space<vmem>>
        %dma_start3A_125 = tpu.memref_slice %arg2[%add3A_120] : memref<4194304xf32, #tpu.memory_space<hbm>> -> memref<16384xf32, #tpu.memory_space<hbm>>
        %dma_start3A_126 = arith.constant 0 : i32
        %dma_start3A_127 = tpu.memref_slice %arg5[%dma_start3A_121, %dma_start3A_126] : memref<2x16384xf32, #tpu.memory_space<vmem>> -> memref<1x16384xf32, #tpu.memory_space<vmem>>
        %dma_start3A_128 = tpu.memref_squeeze %dma_start3A_127 : memref<1x16384xf32, #tpu.memory_space<vmem>> -> memref<16384xf32, #tpu.memory_space<vmem>>
        %dma_start3A_129 = tpu.memref_slice %arg2[%add3A_120] : memref<4194304xf32, #tpu.memory_space<hbm>> -> memref<16384xf32, #tpu.memory_space<hbm>>
        tpu.enqueue_dma source(%dma_start3A_129 : memref<16384xf32, #tpu.memory_space<hbm>>) target(%dma_start3A_128 : memref<16384xf32, #tpu.memory_space<vmem>>) target_semaphore(%arg8 : memref<!tpu.dma_semaphore, #tpu.memory_space<semaphore_mem>>)
        %dma_start3A_130 = arith.constant 0 : i32
        %dma_start3A_131 = arith.constant 0 : i32
        %dma_start3A_132 = tpu.memref_slice %arg6[%dma_start3A_130, %dma_start3A_131] : memref<2x16384xi32, #tpu.memory_space<vmem>> -> memref<1x16384xi32, #tpu.memory_space<vmem>>
        %dma_start3A_133 = tpu.memref_squeeze %dma_start3A_132 : memref<1x16384xi32, #tpu.memory_space<vmem>> -> memref<16384xi32, #tpu.memory_space<vmem>>
        %dma_start3A_134 = tpu.memref_slice %arg3[%add3A_120] : memref<4194304xi32, #tpu.memory_space<hbm>> -> memref<16384xi32, #tpu.memory_space<hbm>>
        %dma_start3A_135 = arith.constant 0 : i32
        %dma_start3A_136 = tpu.memref_slice %arg6[%dma_start3A_130, %dma_start3A_135] : memref<2x16384xi32, #tpu.memory_space<vmem>> -> memref<1x16384xi32, #tpu.memory_space<vmem>>
        %dma_start3A_137 = tpu.memref_squeeze %dma_start3A_136 : memref<1x16384xi32, #tpu.memory_space<vmem>> -> memref<16384xi32, #tpu.memory_space<vmem>>
        %dma_start3A_138 = tpu.memref_slice %arg3[%add3A_120] : memref<4194304xi32, #tpu.memory_space<hbm>> -> memref<16384xi32, #tpu.memory_space<hbm>>
        tpu.enqueue_dma source(%dma_start3A_138 : memref<16384xi32, #tpu.memory_space<hbm>>) target(%dma_start3A_137 : memref<16384xi32, #tpu.memory_space<vmem>>) target_semaphore(%arg8 : memref<!tpu.dma_semaphore, #tpu.memory_space<semaphore_mem>>)
      } else {
      }
      %mul3A_91 = arith.constant 16384 : i32
      %mul3A_92 = arith.muli %add3A_83, %mul3A_91 : i32
      %add3A_93 = arith.addi %mul3A_2, %mul3A_92 : i32
      %dma_wait3A_94 = arith.constant 1 : i32
      %dma_wait3A_95 = arith.constant 0 : i32
      %dma_wait3A_96 = tpu.memref_slice %arg5[%dma_wait3A_94, %dma_wait3A_95] : memref<2x16384xf32, #tpu.memory_space<vmem>> -> memref<1x16384xf32, #tpu.memory_space<vmem>>
      %dma_wait3A_97 = tpu.memref_squeeze %dma_wait3A_96 : memref<1x16384xf32, #tpu.memory_space<vmem>> -> memref<16384xf32, #tpu.memory_space<vmem>>
      %dma_wait3A_98 = tpu.memref_slice %arg2[%add3A_93] : memref<4194304xf32, #tpu.memory_space<hbm>> -> memref<16384xf32, #tpu.memory_space<hbm>>
      %dma_wait3A_99 = arith.constant 0 : i32
      %dma_wait3A_100 = tpu.memref_slice %arg5[%dma_wait3A_94, %dma_wait3A_99] : memref<2x16384xf32, #tpu.memory_space<vmem>> -> memref<1x16384xf32, #tpu.memory_space<vmem>>
      %dma_wait3A_101 = tpu.memref_squeeze %dma_wait3A_100 : memref<1x16384xf32, #tpu.memory_space<vmem>> -> memref<16384xf32, #tpu.memory_space<vmem>>
      %dma_wait3A_102 = tpu.memref_slice %arg2[%add3A_93] : memref<4194304xf32, #tpu.memory_space<hbm>> -> memref<16384xf32, #tpu.memory_space<hbm>>
      tpu.wait_dma2 semaphore(%arg9 : memref<!tpu.dma_semaphore, #tpu.memory_space<semaphore_mem>>) src(%dma_wait3A_102 : memref<16384xf32, #tpu.memory_space<hbm>>) dst(%dma_wait3A_101 : memref<16384xf32, #tpu.memory_space<vmem>>)
      %dma_wait3A_103 = arith.constant 1 : i32
      %dma_wait3A_104 = arith.constant 0 : i32
      %dma_wait3A_105 = tpu.memref_slice %arg6[%dma_wait3A_103, %dma_wait3A_104] : memref<2x16384xi32, #tpu.memory_space<vmem>> -> memref<1x16384xi32, #tpu.memory_space<vmem>>
      %dma_wait3A_106 = tpu.memref_squeeze %dma_wait3A_105 : memref<1x16384xi32, #tpu.memory_space<vmem>> -> memref<16384xi32, #tpu.memory_space<vmem>>
      %dma_wait3A_107 = tpu.memref_slice %arg3[%add3A_93] : memref<4194304xi32, #tpu.memory_space<hbm>> -> memref<16384xi32, #tpu.memory_space<hbm>>
      %dma_wait3A_108 = arith.constant 0 : i32
      %dma_wait3A_109 = tpu.memref_slice %arg6[%dma_wait3A_103, %dma_wait3A_108] : memref<2x16384xi32, #tpu.memory_space<vmem>> -> memref<1x16384xi32, #tpu.memory_space<vmem>>
      %dma_wait3A_110 = tpu.memref_squeeze %dma_wait3A_109 : memref<1x16384xi32, #tpu.memory_space<vmem>> -> memref<16384xi32, #tpu.memory_space<vmem>>
      %dma_wait3A_111 = tpu.memref_slice %arg3[%add3A_93] : memref<4194304xi32, #tpu.memory_space<hbm>> -> memref<16384xi32, #tpu.memory_space<hbm>>
      tpu.wait_dma2 semaphore(%arg9 : memref<!tpu.dma_semaphore, #tpu.memory_space<semaphore_mem>>) src(%dma_wait3A_111 : memref<16384xi32, #tpu.memory_space<hbm>>) dst(%dma_wait3A_110 : memref<16384xi32, #tpu.memory_space<vmem>>)
      %scan3A_112 = arith.constant 0 : i32
      %scan3A_113 = arith.constant 128 : i32
      %scan3A_114 = arith.addi %scan3A_112, %scan3A_113 : i32
      %scan3A_115 = arith.constant 1 : i32
      %scan3A_116:4 = scf.for %scan3A_118 = %scan3A_112 to %scan3A_114 step %scan3A_115 iter_args(%scan3A_119 = %scan3A_78#0, %scan3A_120 = %scan3A_78#1, %scan3A_121 = %scan3A_78#2, %scan3A_122 = %scan3A_78#3) -> (vector<16xi32>, vector<16xi32>, vector<16xi32>, vector<16xi32>)  : i32 {
        %mul3A_123 = arith.constant 128 : i32
        %mul3A_124 = arith.muli %scan3A_118, %mul3A_123 : i32
        %add3A_125 = arith.constant 0 : i32
        %add3A_126 = arith.addi %mul3A_124, %add3A_125 : i32
        %get3A = arith.constant 1 : i32
        %get3A_127 = arith.index_cast %get3A : i32 to index
        %get3A_128 = arith.index_cast %add3A_126 : i32 to index
        %get3A_129 = tpu.vector_load %arg5[%get3A_127, %get3A_128] {strides = array<i32>} : memref<2x16384xf32, #tpu.memory_space<vmem>>, vector<1x16xf32>,
        %get3A_130 = vector.shape_cast %get3A_129 : vector<1x16xf32> to vector<16xf32>
        %get3A_131 = arith.constant 1 : i32
        %get3A_132 = arith.index_cast %get3A_131 : i32 to index
        %get3A_133 = arith.index_cast %add3A_126 : i32 to index
        %get3A_134 = tpu.vector_load %arg6[%get3A_132, %get3A_133] {strides = array<i32>} : memref<2x16384xi32, #tpu.memory_space<vmem>>, vector<1x16xi32>,
        %get3A_135 = vector.shape_cast %get3A_134 : vector<1x16xi32> to vector<16xi32>
        %lt3A_136 = arith.constant 5.000000e-01 : f32
        %lt3A_137 = vector.broadcast %lt3A_136 : f32 to vector<16xf32>
        %lt3A_138 = arith.cmpf olt, %get3A_130, %lt3A_137 : vector<16xf32>
        %eq3A = arith.constant 0 : i32
        %eq3A_139 = vector.broadcast %eq3A : i32 to vector<16xi32>
        %eq3A_140 = arith.cmpi eq, %get3A_135, %eq3A_139 : vector<16xi32>
        %and3A = arith.andi %lt3A_138, %eq3A_140 : vector<16xi1>
        %jit3A = arith.constant 1 : i32
        %jit3A_141 = arith.constant 0 : i32
        %broadcast_in_dim3A_142 = vector.broadcast %jit3A : i32 to vector<16xi32>
        %broadcast_in_dim3A_143 = vector.broadcast %jit3A_141 : i32 to vector<16xi32>
        %select_n3A = arith.select %and3A, %broadcast_in_dim3A_142, %broadcast_in_dim3A_143 : vector<16xi1>, vector<16xi32>
        %add3A_144 = arith.addi %scan3A_119, %select_n3A : vector<16xi32>
        %add3A_145 = arith.addi %scan3A_121, %get3A_135 : vector<16xi32>
        %mul3A_146 = arith.constant 128 : i32
        %mul3A_147 = arith.muli %scan3A_118, %mul3A_146 : i32
        %add3A_148 = arith.constant 16 : i32
        %add3A_149 = arith.addi %mul3A_147, %add3A_148 : i32
        %get3A_150 = arith.constant 1 : i32
        %get3A_151 = arith.index_cast %get3A_150 : i32 to index
        %get3A_152 = arith.index_cast %add3A_149 : i32 to index
        %get3A_153 = tpu.vector_load %arg5[%get3A_151, %get3A_152] {strides = array<i32>} : memref<2x16384xf32, #tpu.memory_space<vmem>>, vector<1x16xf32>,
        %get3A_154 = vector.shape_cast %get3A_153 : vector<1x16xf32> to vector<16xf32>
        %get3A_155 = arith.constant 1 : i32
        %get3A_156 = arith.index_cast %get3A_155 : i32 to index
        %get3A_157 = arith.index_cast %add3A_149 : i32 to index
        %get3A_158 = tpu.vector_load %arg6[%get3A_156, %get3A_157] {strides = array<i32>} : memref<2x16384xi32, #tpu.memory_space<vmem>>, vector<1x16xi32>,
        %get3A_159 = vector.shape_cast %get3A_158 : vector<1x16xi32> to vector<16xi32>
        %lt3A_160 = arith.constant 5.000000e-01 : f32
        %lt3A_161 = vector.broadcast %lt3A_160 : f32 to vector<16xf32>
        %lt3A_162 = arith.cmpf olt, %get3A_154, %lt3A_161 : vector<16xf32>
        %eq3A_163 = arith.constant 0 : i32
        %eq3A_164 = vector.broadcast %eq3A_163 : i32 to vector<16xi32>
        %eq3A_165 = arith.cmpi eq, %get3A_159, %eq3A_164 : vector<16xi32>
        %and3A_166 = arith.andi %lt3A_162, %eq3A_165 : vector<16xi1>
        %jit3A_167 = arith.constant 1 : i32
        %jit3A_168 = arith.constant 0 : i32
        %broadcast_in_dim3A_169 = vector.broadcast %jit3A_167 : i32 to vector<16xi32>
        %broadcast_in_dim3A_170 = vector.broadcast %jit3A_168 : i32 to vector<16xi32>
        %select_n3A_171 = arith.select %and3A_166, %broadcast_in_dim3A_169, %broadcast_in_dim3A_170 : vector<16xi1>, vector<16xi32>
        %add3A_172 = arith.addi %scan3A_120, %select_n3A_171 : vector<16xi32>
        %add3A_173 = arith.addi %scan3A_122, %get3A_159 : vector<16xi32>
        %mul3A_174 = arith.constant 128 : i32
        %mul3A_175 = arith.muli %scan3A_118, %mul3A_174 : i32
        %add3A_176 = arith.constant 32 : i32
        %add3A_177 = arith.addi %mul3A_175, %add3A_176 : i32
        %get3A_178 = arith.constant 1 : i32
        %get3A_179 = arith.index_cast %get3A_178 : i32 to index
        %get3A_180 = arith.index_cast %add3A_177 : i32 to index
        %get3A_181 = tpu.vector_load %arg5[%get3A_179, %get3A_180] {strides = array<i32>} : memref<2x16384xf32, #tpu.memory_space<vmem>>, vector<1x16xf32>,
        %get3A_182 = vector.shape_cast %get3A_181 : vector<1x16xf32> to vector<16xf32>
        %get3A_183 = arith.constant 1 : i32
        %get3A_184 = arith.index_cast %get3A_183 : i32 to index
        %get3A_185 = arith.index_cast %add3A_177 : i32 to index
        %get3A_186 = tpu.vector_load %arg6[%get3A_184, %get3A_185] {strides = array<i32>} : memref<2x16384xi32, #tpu.memory_space<vmem>>, vector<1x16xi32>,
        %get3A_187 = vector.shape_cast %get3A_186 : vector<1x16xi32> to vector<16xi32>
        %lt3A_188 = arith.constant 5.000000e-01 : f32
        %lt3A_189 = vector.broadcast %lt3A_188 : f32 to vector<16xf32>
        %lt3A_190 = arith.cmpf olt, %get3A_182, %lt3A_189 : vector<16xf32>
        %eq3A_191 = arith.constant 0 : i32
        %eq3A_192 = vector.broadcast %eq3A_191 : i32 to vector<16xi32>
        %eq3A_193 = arith.cmpi eq, %get3A_187, %eq3A_192 : vector<16xi32>
        %and3A_194 = arith.andi %lt3A_190, %eq3A_193 : vector<16xi1>
        %jit3A_195 = arith.constant 1 : i32
        %jit3A_196 = arith.constant 0 : i32
        %broadcast_in_dim3A_197 = vector.broadcast %jit3A_195 : i32 to vector<16xi32>
        %broadcast_in_dim3A_198 = vector.broadcast %jit3A_196 : i32 to vector<16xi32>
        %select_n3A_199 = arith.select %and3A_194, %broadcast_in_dim3A_197, %broadcast_in_dim3A_198 : vector<16xi1>, vector<16xi32>
        %add3A_200 = arith.addi %add3A_144, %select_n3A_199 : vector<16xi32>
        %add3A_201 = arith.addi %add3A_145, %get3A_187 : vector<16xi32>
        %mul3A_202 = arith.constant 128 : i32
        %mul3A_203 = arith.muli %scan3A_118, %mul3A_202 : i32
        %add3A_204 = arith.constant 48 : i32
        %add3A_205 = arith.addi %mul3A_203, %add3A_204 : i32
        %get3A_206 = arith.constant 1 : i32
        %get3A_207 = arith.index_cast %get3A_206 : i32 to index
        %get3A_208 = arith.index_cast %add3A_205 : i32 to index
        %get3A_209 = tpu.vector_load %arg5[%get3A_207, %get3A_208] {strides = array<i32>} : memref<2x16384xf32, #tpu.memory_space<vmem>>, vector<1x16xf32>,
        %get3A_210 = vector.shape_cast %get3A_209 : vector<1x16xf32> to vector<16xf32>
        %get3A_211 = arith.constant 1 : i32
        %get3A_212 = arith.index_cast %get3A_211 : i32 to index
        %get3A_213 = arith.index_cast %add3A_205 : i32 to index
        %get3A_214 = tpu.vector_load %arg6[%get3A_212, %get3A_213] {strides = array<i32>} : memref<2x16384xi32, #tpu.memory_space<vmem>>, vector<1x16xi32>,
        %get3A_215 = vector.shape_cast %get3A_214 : vector<1x16xi32> to vector<16xi32>
        %lt3A_216 = arith.constant 5.000000e-01 : f32
        %lt3A_217 = vector.broadcast %lt3A_216 : f32 to vector<16xf32>
        %lt3A_218 = arith.cmpf olt, %get3A_210, %lt3A_217 : vector<16xf32>
        %eq3A_219 = arith.constant 0 : i32
        %eq3A_220 = vector.broadcast %eq3A_219 : i32 to vector<16xi32>
        %eq3A_221 = arith.cmpi eq, %get3A_215, %eq3A_220 : vector<16xi32>
        %and3A_222 = arith.andi %lt3A_218, %eq3A_221 : vector<16xi1>
        %jit3A_223 = arith.constant 1 : i32
        %jit3A_224 = arith.constant 0 : i32
        %broadcast_in_dim3A_225 = vector.broadcast %jit3A_223 : i32 to vector<16xi32>
        %broadcast_in_dim3A_226 = vector.broadcast %jit3A_224 : i32 to vector<16xi32>
        %select_n3A_227 = arith.select %and3A_222, %broadcast_in_dim3A_225, %broadcast_in_dim3A_226 : vector<16xi1>, vector<16xi32>
        %add3A_228 = arith.addi %add3A_172, %select_n3A_227 : vector<16xi32>
        %add3A_229 = arith.addi %add3A_173, %get3A_215 : vector<16xi32>
        %mul3A_230 = arith.constant 128 : i32
        %mul3A_231 = arith.muli %scan3A_118, %mul3A_230 : i32
        %add3A_232 = arith.constant 64 : i32
        %add3A_233 = arith.addi %mul3A_231, %add3A_232 : i32
        %get3A_234 = arith.constant 1 : i32
        %get3A_235 = arith.index_cast %get3A_234 : i32 to index
        %get3A_236 = arith.index_cast %add3A_233 : i32 to index
        %get3A_237 = tpu.vector_load %arg5[%get3A_235, %get3A_236] {strides = array<i32>} : memref<2x16384xf32, #tpu.memory_space<vmem>>, vector<1x16xf32>,
        %get3A_238 = vector.shape_cast %get3A_237 : vector<1x16xf32> to vector<16xf32>
        %get3A_239 = arith.constant 1 : i32
        %get3A_240 = arith.index_cast %get3A_239 : i32 to index
        %get3A_241 = arith.index_cast %add3A_233 : i32 to index
        %get3A_242 = tpu.vector_load %arg6[%get3A_240, %get3A_241] {strides = array<i32>} : memref<2x16384xi32, #tpu.memory_space<vmem>>, vector<1x16xi32>,
        %get3A_243 = vector.shape_cast %get3A_242 : vector<1x16xi32> to vector<16xi32>
        %lt3A_244 = arith.constant 5.000000e-01 : f32
        %lt3A_245 = vector.broadcast %lt3A_244 : f32 to vector<16xf32>
        %lt3A_246 = arith.cmpf olt, %get3A_238, %lt3A_245 : vector<16xf32>
        %eq3A_247 = arith.constant 0 : i32
        %eq3A_248 = vector.broadcast %eq3A_247 : i32 to vector<16xi32>
        %eq3A_249 = arith.cmpi eq, %get3A_243, %eq3A_248 : vector<16xi32>
        %and3A_250 = arith.andi %lt3A_246, %eq3A_249 : vector<16xi1>
        %jit3A_251 = arith.constant 1 : i32
        %jit3A_252 = arith.constant 0 : i32
        %broadcast_in_dim3A_253 = vector.broadcast %jit3A_251 : i32 to vector<16xi32>
        %broadcast_in_dim3A_254 = vector.broadcast %jit3A_252 : i32 to vector<16xi32>
        %select_n3A_255 = arith.select %and3A_250, %broadcast_in_dim3A_253, %broadcast_in_dim3A_254 : vector<16xi1>, vector<16xi32>
        %add3A_256 = arith.addi %add3A_200, %select_n3A_255 : vector<16xi32>
        %add3A_257 = arith.addi %add3A_201, %get3A_243 : vector<16xi32>
        %mul3A_258 = arith.constant 128 : i32
        %mul3A_259 = arith.muli %scan3A_118, %mul3A_258 : i32
        %add3A_260 = arith.constant 80 : i32
        %add3A_261 = arith.addi %mul3A_259, %add3A_260 : i32
        %get3A_262 = arith.constant 1 : i32
        %get3A_263 = arith.index_cast %get3A_262 : i32 to index
        %get3A_264 = arith.index_cast %add3A_261 : i32 to index
        %get3A_265 = tpu.vector_load %arg5[%get3A_263, %get3A_264] {strides = array<i32>} : memref<2x16384xf32, #tpu.memory_space<vmem>>, vector<1x16xf32>,
        %get3A_266 = vector.shape_cast %get3A_265 : vector<1x16xf32> to vector<16xf32>
        %get3A_267 = arith.constant 1 : i32
        %get3A_268 = arith.index_cast %get3A_267 : i32 to index
        %get3A_269 = arith.index_cast %add3A_261 : i32 to index
        %get3A_270 = tpu.vector_load %arg6[%get3A_268, %get3A_269] {strides = array<i32>} : memref<2x16384xi32, #tpu.memory_space<vmem>>, vector<1x16xi32>,
        %get3A_271 = vector.shape_cast %get3A_270 : vector<1x16xi32> to vector<16xi32>
        %lt3A_272 = arith.constant 5.000000e-01 : f32
        %lt3A_273 = vector.broadcast %lt3A_272 : f32 to vector<16xf32>
        %lt3A_274 = arith.cmpf olt, %get3A_266, %lt3A_273 : vector<16xf32>
        %eq3A_275 = arith.constant 0 : i32
        %eq3A_276 = vector.broadcast %eq3A_275 : i32 to vector<16xi32>
        %eq3A_277 = arith.cmpi eq, %get3A_271, %eq3A_276 : vector<16xi32>
        %and3A_278 = arith.andi %lt3A_274, %eq3A_277 : vector<16xi1>
        %jit3A_279 = arith.constant 1 : i32
        %jit3A_280 = arith.constant 0 : i32
        %broadcast_in_dim3A_281 = vector.broadcast %jit3A_279 : i32 to vector<16xi32>
        %broadcast_in_dim3A_282 = vector.broadcast %jit3A_280 : i32 to vector<16xi32>
        %select_n3A_283 = arith.select %and3A_278, %broadcast_in_dim3A_281, %broadcast_in_dim3A_282 : vector<16xi1>, vector<16xi32>
        %add3A_284 = arith.addi %add3A_228, %select_n3A_283 : vector<16xi32>
        %add3A_285 = arith.addi %add3A_229, %get3A_271 : vector<16xi32>
        %mul3A_286 = arith.constant 128 : i32
        %mul3A_287 = arith.muli %scan3A_118, %mul3A_286 : i32
        %add3A_288 = arith.constant 96 : i32
        %add3A_289 = arith.addi %mul3A_287, %add3A_288 : i32
        %get3A_290 = arith.constant 1 : i32
        %get3A_291 = arith.index_cast %get3A_290 : i32 to index
        %get3A_292 = arith.index_cast %add3A_289 : i32 to index
        %get3A_293 = tpu.vector_load %arg5[%get3A_291, %get3A_292] {strides = array<i32>} : memref<2x16384xf32, #tpu.memory_space<vmem>>, vector<1x16xf32>,
        %get3A_294 = vector.shape_cast %get3A_293 : vector<1x16xf32> to vector<16xf32>
        %get3A_295 = arith.constant 1 : i32
        %get3A_296 = arith.index_cast %get3A_295 : i32 to index
        %get3A_297 = arith.index_cast %add3A_289 : i32 to index
        %get3A_298 = tpu.vector_load %arg6[%get3A_296, %get3A_297] {strides = array<i32>} : memref<2x16384xi32, #tpu.memory_space<vmem>>, vector<1x16xi32>,
        %get3A_299 = vector.shape_cast %get3A_298 : vector<1x16xi32> to vector<16xi32>
        %lt3A_300 = arith.constant 5.000000e-01 : f32
        %lt3A_301 = vector.broadcast %lt3A_300 : f32 to vector<16xf32>
        %lt3A_302 = arith.cmpf olt, %get3A_294, %lt3A_301 : vector<16xf32>
        %eq3A_303 = arith.constant 0 : i32
        %eq3A_304 = vector.broadcast %eq3A_303 : i32 to vector<16xi32>
        %eq3A_305 = arith.cmpi eq, %get3A_299, %eq3A_304 : vector<16xi32>
        %and3A_306 = arith.andi %lt3A_302, %eq3A_305 : vector<16xi1>
        %jit3A_307 = arith.constant 1 : i32
        %jit3A_308 = arith.constant 0 : i32
        %broadcast_in_dim3A_309 = vector.broadcast %jit3A_307 : i32 to vector<16xi32>
        %broadcast_in_dim3A_310 = vector.broadcast %jit3A_308 : i32 to vector<16xi32>
        %select_n3A_311 = arith.select %and3A_306, %broadcast_in_dim3A_309, %broadcast_in_dim3A_310 : vector<16xi1>, vector<16xi32>
        %add3A_312 = arith.addi %add3A_256, %select_n3A_311 : vector<16xi32>
        %add3A_313 = arith.addi %add3A_257, %get3A_299 : vector<16xi32>
        %mul3A_314 = arith.constant 128 : i32
        %mul3A_315 = arith.muli %scan3A_118, %mul3A_314 : i32
        %add3A_316 = arith.constant 112 : i32
        %add3A_317 = arith.addi %mul3A_315, %add3A_316 : i32
        %get3A_318 = arith.constant 1 : i32
        %get3A_319 = arith.index_cast %get3A_318 : i32 to index
        %get3A_320 = arith.index_cast %add3A_317 : i32 to index
        %get3A_321 = tpu.vector_load %arg5[%get3A_319, %get3A_320] {strides = array<i32>} : memref<2x16384xf32, #tpu.memory_space<vmem>>, vector<1x16xf32>,
        %get3A_322 = vector.shape_cast %get3A_321 : vector<1x16xf32> to vector<16xf32>
        %get3A_323 = arith.constant 1 : i32
        %get3A_324 = arith.index_cast %get3A_323 : i32 to index
        %get3A_325 = arith.index_cast %add3A_317 : i32 to index
        %get3A_326 = tpu.vector_load %arg6[%get3A_324, %get3A_325] {strides = array<i32>} : memref<2x16384xi32, #tpu.memory_space<vmem>>, vector<1x16xi32>,
        %get3A_327 = vector.shape_cast %get3A_326 : vector<1x16xi32> to vector<16xi32>
        %lt3A_328 = arith.constant 5.000000e-01 : f32
        %lt3A_329 = vector.broadcast %lt3A_328 : f32 to vector<16xf32>
        %lt3A_330 = arith.cmpf olt, %get3A_322, %lt3A_329 : vector<16xf32>
        %eq3A_331 = arith.constant 0 : i32
        %eq3A_332 = vector.broadcast %eq3A_331 : i32 to vector<16xi32>
        %eq3A_333 = arith.cmpi eq, %get3A_327, %eq3A_332 : vector<16xi32>
        %and3A_334 = arith.andi %lt3A_330, %eq3A_333 : vector<16xi1>
        %jit3A_335 = arith.constant 1 : i32
        %jit3A_336 = arith.constant 0 : i32
        %broadcast_in_dim3A_337 = vector.broadcast %jit3A_335 : i32 to vector<16xi32>
        %broadcast_in_dim3A_338 = vector.broadcast %jit3A_336 : i32 to vector<16xi32>
        %select_n3A_339 = arith.select %and3A_334, %broadcast_in_dim3A_337, %broadcast_in_dim3A_338 : vector<16xi1>, vector<16xi32>
        %add3A_340 = arith.addi %add3A_284, %select_n3A_339 : vector<16xi32>
        %add3A_341 = arith.addi %add3A_285, %get3A_327 : vector<16xi32>
        scf.yield %add3A_312, %add3A_340, %add3A_313, %add3A_341 : vector<16xi32>, vector<16xi32>, vector<16xi32>, vector<16xi32>
      }
      %scan3A_117 = arith.constant 128 : i32
      scf.yield %scan3A_116#0, %scan3A_116#1, %scan3A_116#2, %scan3A_116#3 : vector<16xi32>, vector<16xi32>, vector<16xi32>, vector<16xi32>
    }
    %scan3A_27 = arith.constant 2 : i32
    %add3A_28 = arith.addi %scan3A_26#0, %scan3A_26#1 : vector<16xi32>
    %swap3A = arith.constant 0 : i32
    %swap3A_29 = arith.index_cast %swap3A : i32 to index
    %swap3A_30 = arith.constant 0 : index
    %swap3A_31 = tpu.vector_load %arg7[%swap3A_29, %swap3A_30] {strides = array<i32>} : memref<2x16xi32, #tpu.memory_space<vmem>>, vector<1x16xi32>,
    %swap3A_32 = vector.shape_cast %swap3A_31 : vector<1x16xi32> to vector<16xi32>
    %swap3A_33 = vector.shape_cast %add3A_28 : vector<16xi32> to vector<1x16xi32>
    tpu.vector_store %arg7[%swap3A_29, %swap3A_30], %swap3A_33 {strides = array<i32>} : memref<2x16xi32, #tpu.memory_space<vmem>>, vector<1x16xi32>,
    %add3A_34 = arith.addi %scan3A_26#2, %scan3A_26#3 : vector<16xi32>
    %swap3A_35 = arith.constant 1 : i32
    %swap3A_36 = arith.index_cast %swap3A_35 : i32 to index
    %swap3A_37 = arith.constant 0 : index
    %swap3A_38 = tpu.vector_load %arg7[%swap3A_36, %swap3A_37] {strides = array<i32>} : memref<2x16xi32, #tpu.memory_space<vmem>>, vector<1x16xi32>,
    %swap3A_39 = vector.shape_cast %swap3A_38 : vector<1x16xi32> to vector<16xi32>
    %swap3A_40 = vector.shape_cast %add3A_34 : vector<16xi32> to vector<1x16xi32>
    tpu.vector_store %arg7[%swap3A_36, %swap3A_37], %swap3A_40 {strides = array<i32>} : memref<2x16xi32, #tpu.memory_space<vmem>>, vector<1x16xi32>,
    "tpu.region"() ({
      %run_scoped3A = tpu.sem_alloc : memref<!tpu.dma_semaphore, #tpu.memory_space<semaphore_mem>>
      %dma_start3A_41 = arith.constant 0 : i32
      %dma_start3A_42 = arith.constant 0 : i32
      %dma_start3A_43 = tpu.memref_slice %arg4[%add3A, %dma_start3A_41, %dma_start3A_42] : memref<32x2x16xi32, #tpu.memory_space<hbm>> -> memref<1x2x16xi32, #tpu.memory_space<hbm>>
      %dma_start3A_44 = tpu.memref_squeeze %dma_start3A_43 : memref<1x2x16xi32, #tpu.memory_space<hbm>> -> memref<2x16xi32, #tpu.memory_space<hbm>>
      %dma_start3A_45 = arith.constant 0 : i32
      %dma_start3A_46 = arith.constant 0 : i32
      %dma_start3A_47 = tpu.memref_slice %arg4[%add3A, %dma_start3A_45, %dma_start3A_46] : memref<32x2x16xi32, #tpu.memory_space<hbm>> -> memref<1x2x16xi32, #tpu.memory_space<hbm>>
      %dma_start3A_48 = tpu.memref_squeeze %dma_start3A_47 : memref<1x2x16xi32, #tpu.memory_space<hbm>> -> memref<2x16xi32, #tpu.memory_space<hbm>>
      tpu.enqueue_dma source(%arg7 : memref<2x16xi32, #tpu.memory_space<vmem>>) target(%dma_start3A_48 : memref<2x16xi32, #tpu.memory_space<hbm>>) target_semaphore(%run_scoped3A : memref<!tpu.dma_semaphore, #tpu.memory_space<semaphore_mem>>)
      %dma_wait3A = arith.constant 0 : i32
      %dma_wait3A_49 = arith.constant 0 : i32
      %dma_wait3A_50 = tpu.memref_slice %arg4[%add3A, %dma_wait3A, %dma_wait3A_49] : memref<32x2x16xi32, #tpu.memory_space<hbm>> -> memref<1x2x16xi32, #tpu.memory_space<hbm>>
      %dma_wait3A_51 = tpu.memref_squeeze %dma_wait3A_50 : memref<1x2x16xi32, #tpu.memory_space<hbm>> -> memref<2x16xi32, #tpu.memory_space<hbm>>
      %dma_wait3A_52 = arith.constant 0 : i32
      %dma_wait3A_53 = arith.constant 0 : i32
      %dma_wait3A_54 = tpu.memref_slice %arg4[%add3A, %dma_wait3A_52, %dma_wait3A_53] : memref<32x2x16xi32, #tpu.memory_space<hbm>> -> memref<1x2x16xi32, #tpu.memory_space<hbm>>
      %dma_wait3A_55 = tpu.memref_squeeze %dma_wait3A_54 : memref<1x2x16xi32, #tpu.memory_space<hbm>> -> memref<2x16xi32, #tpu.memory_space<hbm>>
      tpu.wait_dma2 semaphore(%run_scoped3A : memref<!tpu.dma_semaphore, #tpu.memory_space<semaphore_mem>>) src(%arg7 : memref<2x16xi32, #tpu.memory_space<vmem>>) dst(%dma_wait3A_55 : memref<2x16xi32, #tpu.memory_space<hbm>>)
      tpu.yield
    }) : () -> ()
    return
  }
}

module attributes {stable_mosaic.version = 14 : i64} {
  func.func @body(%arg0: i32, %arg1: memref<512x8x128xf32, #tpu.memory_space<vmem>>, %arg2: memref<512x8x128xi32, #tpu.memory_space<vmem>>, %arg3: memref<1x1xf32, #tpu.memory_space<smem>>, %arg4: memref<1x1xf32, #tpu.memory_space<smem>>, %arg5: memref<8x128xf32, #tpu.memory_space<vmem>>, %arg6: memref<8x128xf32, #tpu.memory_space<vmem>>) attributes {dimension_semantics = [#tpu.dimension_semantics<arbitrary>], iteration_bounds = array<i64: 4>, scalar_prefetch = 0 : i64, scratch_operands = 2 : i64, tpu.core_type = #tpu.core_type<tc>, window_params = [{transform_indices = @transform_0, window_bounds = array<i64: 512, 8, 128>}, {transform_indices = @transform_1, window_bounds = array<i64: 512, 8, 128>}, {transform_indices = @transform_2, window_bounds = array<i64: 1, 1>}, {transform_indices = @transform_3, window_bounds = array<i64: 1, 1>}]} {
    %eq3A = arith.constant 0 : i32
    %eq3A_0 = arith.cmpi eq, %arg0, %eq3A : i32
    %convert_element_type3A = arith.extui %eq3A_0 : i1 to i32
    %cond3A = arith.constant 0 : i32
    %cond3A_1 = arith.cmpi ne, %convert_element_type3A, %cond3A : i32
    scf.if %cond3A_1 {
      %broadcast_in_dim3A = arith.constant 0.000000e+00 : f32
      %broadcast_in_dim3A_37 = vector.broadcast %broadcast_in_dim3A : f32 to vector<8x128xf32>
      %swap3A_38 = arith.constant 0 : index
      %swap3A_39 = arith.constant 0 : index
      %swap3A_40 = vector.load %arg5[%swap3A_38, %swap3A_39] : memref<8x128xf32, #tpu.memory_space<vmem>>, vector<8x128xf32>
      tpu.vector_store %arg5[%swap3A_38, %swap3A_39], %broadcast_in_dim3A_37 {strides = array<i32>} : memref<8x128xf32, #tpu.memory_space<vmem>>, vector<8x128xf32>,
      %broadcast_in_dim3A_41 = arith.constant 0.000000e+00 : f32
      %broadcast_in_dim3A_42 = vector.broadcast %broadcast_in_dim3A_41 : f32 to vector<8x128xf32>
      %swap3A_43 = arith.constant 0 : index
      %swap3A_44 = arith.constant 0 : index
      %swap3A_45 = vector.load %arg6[%swap3A_43, %swap3A_44] : memref<8x128xf32, #tpu.memory_space<vmem>>, vector<8x128xf32>
      tpu.vector_store %arg6[%swap3A_43, %swap3A_44], %broadcast_in_dim3A_42 {strides = array<i32>} : memref<8x128xf32, #tpu.memory_space<vmem>>, vector<8x128xf32>,
    } else {
    }
    %get3A = arith.constant 0 : index
    %get3A_2 = arith.constant 0 : index
    %get3A_3 = arith.constant 0 : index
    %get3A_4 = vector.load %arg1[%get3A, %get3A_2, %get3A_3] : memref<512x8x128xf32, #tpu.memory_space<vmem>>, vector<512x8x128xf32>
    %get3A_5 = arith.constant 0 : index
    %get3A_6 = arith.constant 0 : index
    %get3A_7 = arith.constant 0 : index
    %get3A_8 = vector.load %arg2[%get3A_5, %get3A_6, %get3A_7] : memref<512x8x128xi32, #tpu.memory_space<vmem>>, vector<512x8x128xi32>
    %lt3A = arith.constant 5.000000e-01 : f32
    %lt3A_9 = vector.broadcast %lt3A : f32 to vector<512x8x128xf32>
    %lt3A_10 = arith.cmpf olt, %get3A_4, %lt3A_9 : vector<512x8x128xf32>
    %eq3A_11 = arith.constant 0 : i32
    %eq3A_12 = vector.broadcast %eq3A_11 : i32 to vector<512x8x128xi32>
    %eq3A_13 = arith.cmpi eq, %get3A_8, %eq3A_12 : vector<512x8x128xi32>
    %and3A = arith.andi %lt3A_10, %eq3A_13 : vector<512x8x128xi1>
    %get3A_14 = arith.constant 0 : index
    %get3A_15 = arith.constant 0 : index
    %get3A_16 = vector.load %arg5[%get3A_14, %get3A_15] : memref<8x128xf32, #tpu.memory_space<vmem>>, vector<8x128xf32>
    %convert_element_type3A_17 = arith.extui %and3A : vector<512x8x128xi1> to vector<512x8x128xi32>
    %convert_element_type3A_18 = arith.sitofp %convert_element_type3A_17 : vector<512x8x128xi32> to vector<512x8x128xf32>
    %reduce_sum3A = arith.constant dense<0.000000e+00> : vector<8x128xf32>
    %reduce_sum3A_19 = vector.multi_reduction <add>, %convert_element_type3A_18, %reduce_sum3A [0] : vector<512x8x128xf32> to vector<8x128xf32>
    %add3A = arith.addf %get3A_16, %reduce_sum3A_19 : vector<8x128xf32>
    %swap3A = arith.constant 0 : index
    %swap3A_20 = arith.constant 0 : index
    %swap3A_21 = vector.load %arg5[%swap3A, %swap3A_20] : memref<8x128xf32, #tpu.memory_space<vmem>>, vector<8x128xf32>
    tpu.vector_store %arg5[%swap3A, %swap3A_20], %add3A {strides = array<i32>} : memref<8x128xf32, #tpu.memory_space<vmem>>, vector<8x128xf32>,
    %get3A_22 = arith.constant 0 : index
    %get3A_23 = arith.constant 0 : index
    %get3A_24 = vector.load %arg6[%get3A_22, %get3A_23] : memref<8x128xf32, #tpu.memory_space<vmem>>, vector<8x128xf32>
    %convert_element_type3A_25 = arith.sitofp %get3A_8 : vector<512x8x128xi32> to vector<512x8x128xf32>
    %reduce_sum3A_26 = arith.constant dense<0.000000e+00> : vector<8x128xf32>
    %reduce_sum3A_27 = vector.multi_reduction <add>, %convert_element_type3A_25, %reduce_sum3A_26 [0] : vector<512x8x128xf32> to vector<8x128xf32>
    %add3A_28 = arith.addf %get3A_24, %reduce_sum3A_27 : vector<8x128xf32>
    %swap3A_29 = arith.constant 0 : index
    %swap3A_30 = arith.constant 0 : index
    %swap3A_31 = vector.load %arg6[%swap3A_29, %swap3A_30] : memref<8x128xf32, #tpu.memory_space<vmem>>, vector<8x128xf32>
    tpu.vector_store %arg6[%swap3A_29, %swap3A_30], %add3A_28 {strides = array<i32>} : memref<8x128xf32, #tpu.memory_space<vmem>>, vector<8x128xf32>,
    %eq3A_32 = arith.constant 3 : i32
    %eq3A_33 = arith.cmpi eq, %arg0, %eq3A_32 : i32
    %convert_element_type3A_34 = arith.extui %eq3A_33 : i1 to i32
    %cond3A_35 = arith.constant 0 : i32
    %cond3A_36 = arith.cmpi ne, %convert_element_type3A_34, %cond3A_35 : i32
    scf.if %cond3A_36 {
      %get3A_37 = arith.constant 0 : index
      %get3A_38 = arith.constant 0 : index
      %get3A_39 = vector.load %arg5[%get3A_37, %get3A_38] : memref<8x128xf32, #tpu.memory_space<vmem>>, vector<8x128xf32>
      %reduce_sum3A_40 = vector.shape_cast %get3A_39 : vector<8x128xf32> to vector<1x8x128xf32>
      %reduce_sum3A_41 = arith.constant dense<0.000000e+00> : vector<1xf32>
      %reduce_sum3A_42 = vector.multi_reduction <add>, %reduce_sum3A_40, %reduce_sum3A_41 [1, 2] : vector<1x8x128xf32> to vector<1xf32>
      %reduce_sum3A_43 = vector.shape_cast %reduce_sum3A_42 : vector<1xf32> to vector<1x1x1xf32>
      %reduce_sum3A_44 = vector.extract %reduce_sum3A_43[0, 0, 0] : f32 from vector<1x1x1xf32>
      %swap3A_45 = arith.constant 0 : index
      %swap3A_46 = arith.constant 0 : index
      %swap3A_47 = memref.load %arg3[%swap3A_45, %swap3A_46] : memref<1x1xf32, #tpu.memory_space<smem>>
      memref.store %reduce_sum3A_44, %arg3[%swap3A_45, %swap3A_46] : memref<1x1xf32, #tpu.memory_space<smem>>
      %get3A_48 = arith.constant 0 : index
      %get3A_49 = arith.constant 0 : index
      %get3A_50 = vector.load %arg6[%get3A_48, %get3A_49] : memref<8x128xf32, #tpu.memory_space<vmem>>, vector<8x128xf32>
      %reduce_sum3A_51 = vector.shape_cast %get3A_50 : vector<8x128xf32> to vector<1x8x128xf32>
      %reduce_sum3A_52 = arith.constant dense<0.000000e+00> : vector<1xf32>
      %reduce_sum3A_53 = vector.multi_reduction <add>, %reduce_sum3A_51, %reduce_sum3A_52 [1, 2] : vector<1x8x128xf32> to vector<1xf32>
      %reduce_sum3A_54 = vector.shape_cast %reduce_sum3A_53 : vector<1xf32> to vector<1x1x1xf32>
      %reduce_sum3A_55 = vector.extract %reduce_sum3A_54[0, 0, 0] : f32 from vector<1x1x1xf32>
      %swap3A_56 = arith.constant 0 : index
      %swap3A_57 = arith.constant 0 : index
      %swap3A_58 = memref.load %arg4[%swap3A_56, %swap3A_57] : memref<1x1xf32, #tpu.memory_space<smem>>
      memref.store %reduce_sum3A_55, %arg4[%swap3A_56, %swap3A_57] : memref<1x1xf32, #tpu.memory_space<smem>>
    } else {
    }
    return
  }
  func.func @transform_0(%arg0: i32) -> (i32, i32, i32) {
    %add3A = arith.constant 4 : i32
    %add3A_0 = arith.addi %arg0, %add3A : i32
    %c0_i32 = arith.constant 0 : i32
    %c0_i32_1 = arith.constant 0 : i32
    %c0_i32_2 = arith.constant 0 : i32
    return %add3A_0, %c0_i32, %c0_i32_1 : i32, i32, i32
  }
  func.func @transform_1(%arg0: i32) -> (i32, i32, i32) {
    %add3A = arith.constant 4 : i32
    %add3A_0 = arith.addi %arg0, %add3A : i32
    %c0_i32 = arith.constant 0 : i32
    %c0_i32_1 = arith.constant 0 : i32
    %c0_i32_2 = arith.constant 0 : i32
    return %add3A_0, %c0_i32, %c0_i32_1 : i32, i32, i32
  }
  func.func @transform_2(%arg0: i32) -> (i32, i32) {
    %c0_i32 = arith.constant 0 : i32
    %c0_i32_0 = arith.constant 0 : i32
    %c0_i32_1 = arith.constant 0 : i32
    return %c0_i32, %c0_i32_0 : i32, i32
  }
  func.func @transform_3(%arg0: i32) -> (i32, i32) {
    %c0_i32 = arith.constant 0 : i32
    %c0_i32_0 = arith.constant 0 : i32
    %c0_i32_1 = arith.constant 0 : i32
    return %c0_i32, %c0_i32_0 : i32, i32
  }
}

</mosaic_0001>

<sc_bundles>
// kernel: kernel.4.cloned.1.call-start
scs
__scs_entry_jumppad:
0x0: {  	(pc) =	sbr.rel $0x88, $3  }
0x1: {  	(tag) =	ssettag $0x0;
	lr =	simm.s32 $0x1  }
0x2: {  	[smem:$0x3F9F] =	sst lr;
	_ =	strace $0xD0000000  }
0x3: {  	_ = 	snop  }
0x4: {  	_ = 	snop  }
0x5: {  	_ = 	snop  }
0x6: {  	_ = 	snop  }
0x7: {  	_ = 	snop  }
__scs_overlays_trampoline_lowered:
0x8: {  	[smem:$0x3FAE] =	sst s0  }
0x9: {  	[smem:$0x3FAF] =	sst s1  }
0xa: {  	[smem:$0x3FB0] =	sst s2  }
0xb: {  	[smem:$0x3FB1] =	sst s3  }
0xc: {  	[smem:$0x3FB2] =	sst s4  }
0xd: {  	[smem:$0x3FB3] =	sst s5  }
0xe: {  	[smem:$0x3FB4] =	sst s6  }
0xf: {  	[smem:$0x3FB5] =	sst s7  }
0x10: {  	[smem:$0x3FB6] =	sst s8  }
0x11: {  	[smem:$0x3FB7] =	sst s9;
	s0 =	simm.s32 @!p0 $0x0  }
0x12: {  	s1 =	sld [smem:$0x3F9D];
	s0 =	simm.s32 @p0 $0x1  }
0x13: {  	[smem:$0x3FB8] =	sst s0;
	s0 =	simm.s32 @!p1 $0x0  }
0x14: {  	s2 =	sld [smem:$0x3F9C];
	s0 =	simm.s32 @p1 $0x1  }
0x15: {  	[smem:$0x3FB9] =	sst s0;
	s0 =	simm.s32 @!p2 $0x0  }
0x16: {  	s3 =	sld [smem:$0x3FDB];
	s0 =	simm.s32 @p2 $0x1  }
0x17: {  	s4 =	simm.s32 $0x1BF5;
	[smem:$0x3FBB] =	sst s0  }
0x18: {  	s0 =	sld [smem:$0x3F9E];
	_ =	swait.ge [sflag:s4], $0x0  }
0x19: {  	s7 =	sld [smem:$0x3F9F]  }
0x1a: {  	s8 =	sadd.s32 $0xFFFFE003, lr  }
0x1b: {  	s9 =	sadd.s32 $0xFFFFFEF7, lr;
	s5 =	simm.s32 $0xFFFFFFFF;
	p2 =	slt.u32 s8, $0xFFFFF086  }
0x1c: {  	p1 =	slt.u32 s9, $0xF7A;
	s5 =	simm.s32 @!p2 $0x0  }
0x1d: {  	s5 =	simm.s32 @p1 $0x1;
	p0 =	seq.s32 s7, s2  }
0x1e: {  	s7 =	smul.u32 @!p0 $0xF7A, s2;
	p2 =	seq.s32 @!p0 s5, $0x0  }
0x1f: {  	s9 =	smul.u32 $0xF7A, s1;
	s8 =	simm.s32 @!p0 $0x1BF5;
	p2 =	por !p2, p0  }
0x20: {  	[sflag:s8] =	ssyncset.s32 @!p0 $0xFFFFF086;
	s6 =	sadd.s32 @!p0 s3, s7;
	s7 =	simm.s32 @!p0 $0x108  }
0x21: {  	s3 =	sadd.s32 s3, s9;
	s6 =	sadd.s32 @!p0 $0x88, s6;
	s7 =	simm.s32 @p2 $0x1082  }
0x22: {  	[simem:s7], [sflag:s8] =	dma.local @!p0 [hbm:s6], $0xF7A  }
0x23: {  	s9 =	sor.u32 $0xD0000000, s2;
	s6 =	simm.s32 $0x108;
	_ =	swait.ge @!p0 [sflag:s8], $0x0  }
0x24: {  	s3 =	sadd.s32 $0x88, s3;
	s6 =	simm.s32 @!p1 $0x1082;
	[sflag:s4] =	ssyncset.s32 $0xFFFFF086  }
0x25: {  	[simem:s6], [sflag:s4] =	dma.local [hbm:s3], $0xF7A  }
0x26: {  	[smem:$0x3F9F] =	sst s1;
	(tag) =	ssettag s2;
	_ =	strace s9  }
0x27: {  	s1 =	sld [smem:$0x3FAF]  }
0x28: {  	s2 =	sld [smem:$0x3FB0]  }
0x29: {  	s4 =	sld [smem:$0x3FB2]  }
0x2a: {  	p0 =	seq.s32 s5, $0x0;
	s5 =	sld [smem:$0x3FB3]  }
0x2b: {  	s6 =	sld [smem:$0x3FB4]  }
0x2c: {  	s7 =	sld [smem:$0x3FB5]  }
0x2d: {  	s3 =	simm.s32 $0x108;
	s8 =	sld [smem:$0x3FB6]  }
0x2e: {  	s3 =	simm.s32 @!p0 $0x1082;
	s9 =	sld [smem:$0x3FB7]  }
0x2f: {  	lr =	sadd.s32 s0, s3;
	s0 =	sld [smem:$0x3FAE]  }
0x30: {  	s3 =	sld [smem:$0x3FB1]  }
0x31: {  	[smem:$0x3FBA] =	sst s10  }
0x32: {  	s10 =	sld [smem:$0x3FB8];
	_ =	sdelay $0x3  }
0x33: {  	p0 =	seq.s32 s10, $0x1;
	s10 =	sld [smem:$0x3FBA];
	_ =	sdelay $0x3  }
0x34: {  	[smem:$0x3FBA] =	sst s10  }
0x35: {  	s10 =	sld [smem:$0x3FB9];
	_ =	sdelay $0x3  }
0x36: {  	p1 =	seq.s32 s10, $0x1;
	s10 =	sld [smem:$0x3FBA];
	_ =	sdelay $0x3  }
0x37: {  	[smem:$0x3FBA] =	sst s10  }
0x38: {  	s10 =	sld [smem:$0x3FBB]  }
0x39: {  	_ = 	snop;
	(pc) =	sbr.ind lr, $3  }
0x3a: {  	_ = 	snop  }
0x3b: {  	_ = 	snop  }
0x3c: {  	p2 =	seq.s32 s10, $0x1;
	s10 =	sld [smem:$0x3FBA]  }
0x3d: {  	_ =	shalt  }
0x3e: {  	_ =	shalt  }
0x3f: {  	_ =	shalt  }
0x40: {  	_ =	shalt  }
0x41: {  	_ =	shalt  }
0x42: {  	_ =	shalt  }
0x43: {  	_ =	shalt  }
0x44: {  	_ =	shalt  }
0x45: {  	_ =	shalt  }
0x46: {  	_ =	shalt  }
0x47: {  	_ =	shalt  }
0x48: {  	_ =	shalt  }
0x49: {  	_ =	shalt  }
0x4a: {  	_ =	shalt  }
0x4b: {  	_ =	shalt  }
0x4c: {  	_ =	shalt  }
0x4d: {  	_ =	shalt  }
0x4e: {  	_ =	shalt  }
0x4f: {  	_ =	shalt  }
0x50: {  	_ =	shalt  }
0x51: {  	_ =	shalt  }
0x52: {  	_ =	shalt  }
0x53: {  	_ =	shalt  }
0x54: {  	_ =	shalt  }
0x55: {  	_ =	shalt  }
0x56: {  	_ =	shalt  }
0x57: {  	_ =	shalt  }
0x58: {  	_ =	shalt  }
0x59: {  	_ =	shalt  }
0x5a: {  	_ =	shalt  }
0x5b: {  	_ =	shalt  }
0x5c: {  	_ =	shalt  }
0x5d: {  	_ =	shalt  }
0x5e: {  	_ =	shalt  }
0x5f: {  	_ =	shalt  }
0x60: {  	_ =	shalt  }
0x61: {  	_ =	shalt  }
0x62: {  	_ =	shalt  }
0x63: {  	_ =	shalt  }
0x64: {  	_ =	shalt  }
0x65: {  	_ =	shalt  }
0x66: {  	_ =	shalt  }
0x67: {  	_ =	shalt  }
0x68: {  	_ =	shalt  }
0x69: {  	_ =	shalt  }
0x6a: {  	_ =	shalt  }
0x6b: {  	_ =	shalt  }
0x6c: {  	_ =	shalt  }
0x6d: {  	_ =	shalt  }
0x6e: {  	_ =	shalt  }
0x6f: {  	_ =	shalt  }
0x70: {  	_ =	shalt  }
0x71: {  	_ =	shalt  }
0x72: {  	_ =	shalt  }
0x73: {  	_ =	shalt  }
0x74: {  	_ =	shalt  }
0x75: {  	_ =	shalt  }
0x76: {  	_ =	shalt  }
0x77: {  	_ =	shalt  }
0x78: {  	_ =	shalt  }
0x79: {  	_ =	shalt  }
0x7a: {  	_ =	shalt  }
0x7b: {  	_ =	shalt  }
0x7c: {  	_ =	shalt  }
0x7d: {  	_ =	shalt  }
0x7e: {  	_ =	shalt  }
0x7f: {  	_ =	shalt  }
0x80: {  	_ =	shalt  }
0x81: {  	_ =	shalt  }
0x82: {  	_ =	shalt  }
0x83: {  	_ =	shalt  }
0x84: {  	_ =	shalt  }
0x85: {  	_ =	shalt  }
0x86: {  	_ =	shalt  }
0x87: {  	_ =	shalt  }
.Lfunc_end0:
.L_simem_size_0:
called_computation_lowered:
.L_overlay_start_0:
0x88: {  	s2 =	sld [smem:$0x3FD9]  }
0x89: {  	s3 =	sld [smem:$0x3FFE];
	_ =	sdelay $0x1  }
0x8a: {  	s1 =	srdreg.scid  }
0x8b: {  	s0 =	sand.u32 $0x1, s1  }
0x8c: {  	s17 =	sshll.u32 s0, $0xA;
	s2 =	sadd.s32 s3, s2  }
0x8d: {  	s2 =	sadd.s32 s2, s17  }
0x8e: {  	[smem:$0x3FC6] =	sst s2  }
0x8f: {  	_ = 	snop  }
0x90: {  	s2 =	sld [smem:$0x3FC9]  }
0x91: {  	s18 =	sld [smem:$0x3FC8];
	(tm) =	ssettm $0x1  }
0x92: {  	s4 =	sld [smem:$0x3FFB];
	_ =	sdelay $0x3  }
0x93: {  	_ =	strace s4  }
0x94: {  	s4 =	sld [smem:$0x3FFC];
	_ =	sdelay $0x3  }
0x95: {  	_ =	strace s4  }
0x96: {  	s4 =	sld [smem:$0x3FFD];
	_ =	sdelay $0x3  }
0x97: {  	_ =	strace s4  }
0x98: {  	_ =	strace $0x8FFFFFFF  }
0x99: {  	s19 =	sld [smem:$0x3FDB];
	_ =	sdelay $0x1  }
0x9a: {  	s5 =	simm.s32 $_scs_section_size  }
0x9b: {  	s6 =	simm.s32 $_size__tile_overlayer_lowered;
	s7 =	simm.s32 $_tile_overlayer_lowered  }
0x9c: {  	s22 =	simm.s32 $0x1BFF;
	s21 =	sshll.u32 s7, $0x1;
	s4 =	sadd.s32 s5, s19  }
0x9d: {  	s8 =	simm.s32 $0x0;
	s20 =	sshll.u32 s6, $0x1;
	s6 =	sadd.s32 s21, s4  }
0x9e: {  	[timem:s8], [sflag:s22] =	dma.local [hbm:s6], s20  }
0x9f: {  	_ =	swait.ge [sflag:s22], s20  }
0xa0: {  	s5 =	ssub.s32 $0x0, s20;
	[sflag:s22] =	ssyncset.done $0x0  }
0xa1: {  	[sflag:s22] =	ssyncadd.s32 s5;
	_ =	sdelay $0x1  }
0xa2: {  	s23 =	simm.s32 $0x1B8B  }
0xa3: {  	_ =	swait.ge [sflag:s23], $0x1  }
0xa4: {  	[sflag:s23] =	ssyncset.done $0x0  }
0xa5: {  	s25 =	simm.s32 $0x1B8E;
	s24 =	sld [smem:$0x3FFE];
	[sflag:s23] =	ssyncadd.s32 $0xFFFFFFFF  }
0xa6: {  	s26 =	simm.s32 $execute0_lowered;
	[smem:$0x3FD2] =	sst s25  }
0xa7: {  	s6 =	sshll.u32 s26, $0x1;
	_ =	strace $0x80000046;
	[dreg:$0x1] =	wrdreg $0xFFFFFFFF  }
0xa8: {  	s28 =	simm.s32 $_size_execute0_lowered;
	s4 =	sadd.s32 s4, s6;
	[dreg:$0x0] =	wrdreg $0x0  }
0xa9: {  	s6 =	sshll.u32 s28, $0x1;
	[dreg:$0x2] =	wrdreg s4  }
0xaa: {  	[dreg:$0x3] =	wrdreg s6  }
0xab: {  	[dreg:$0x4] =	wrdreg $0xC0  }
0xac: {  	_ =	task [dreg:s8], $0x5FFFF  }
0xad: {  	[dreg:$0x1] =	wrdreg $0xFFFFFFFF  }
0xae: {  	[dreg:$0x0] =	wrdreg $0x60  }
0xaf: {  	[dreg:$0x2] =	wrdreg s2  }
0xb0: {  	[dreg:$0x3] =	wrdreg s18  }
0xb1: {  	[dreg:$0x4] =	wrdreg s24  }
0xb2: {  	[dreg:$0x5] =	wrdreg $0x9  }
0xb3: {  	_ =	task.clear_ibuf [dreg:s8], $0x6FFFF;
	_ =	strace $0x90000046  }
0xb4: {  	s29 =	simm.s32 $0x9;
	_ =	strace $0x80000048  }
0xb5: {  	_ =	swait.ge [sflag:s29], $0x1  }
0xb6: {  	[sflag:s29] =	ssyncadd.s32 $0xFFFFFFFF  }
0xb7: {  	_ =	strace $0x90000048  }
0xb8: {  	_ =	sfence  }
0xb9: {  	s30 =	sld [smem:$0x0];
	_ =	sdelay $0x2  }
0xba: {  	s31 =	sshll.u32 s1, $0xD;
	s1 =	sshrl.u32 s1, $0x2  }
0xbb: {  	s3 =	sand.u32 $0x4000, s31;
	s1 =	sadd.s32 s1, s30  }
0xbc: {  	s0 =	sor.u32 s3, s0;
	s1 =	sshll.u32 s1, $0x11  }
0xbd: {  	s0 =	sor.u32 s1, s0  }
0xbe: {  	s0 =	sadd.s32 $0x8F2B, s0  }
0xbf: {  	[sflag:s0] =	ssyncadd.remote.s32 $0x1  }
0xc0: {  	_ =	sfence.sel $0xFFFF  }
0xc1: {  	[dreg:$0x0] =	wrdreg $0xFFFFFFFF;
	(pc) =	sbr.abs _section_cstart, $3  }
0xc2: {  	[dreg:$0x1] =	wrdreg $0xFFFFFFFF  }
0xc3: {  	_ =	task.clear_ibuf [dreg:s8], $0x2FFFF;
	_ =	strace $0x9FFFFFFF  }
0xc4: {  	(tm) =	ssettm $0x7FFFFFFF  }
0xc5: {  	_ =	shalt  }
tec
execute0_lowered:
.L_overlay_start_1:
0x0: {  	(tag) =	ssettag $0x1  }
0x1: {  	s1 =	rddreg [dreg:$0x0]  }
0x2: {  	s3 =	rddreg [dreg:$0x1]  }
0x3: {  	s10 =	rddreg [dreg:$0x2]  }
0x4: {  	s0 =	rddreg [dreg:$0x3]  }
0x5: {  	s5 =	srdreg.scid;
	s2 =	stileid.u32  }
0x6: {  	s4 =	simm.s32 $0x0;
	s13 =	simm.s32 $0x2;
	s14 =	simm.s32 $0x10000  }
0x7: {  	s15 =	simm.s32 $0x3;
	s16 =	simm.s32 $0x0;
	s5 =	sand.u32 $0x1, s5  }
0x8: {  	s6 =	sshll.u32 s2, $0x1;
	[smem:$0x7FF] =	sst s4;
	s7 =	ssub.s32 $0x2, s5  }
0x9: {  	s8 =	sor.u32 s5, s6;
	_ =	strace $0x80000047;
	s31 =	sshrl.u32 s7, $0x1  }
0xa: {  	s9 =	sshll.u32 s8, $0xD;
	s12 =	sshll.u32 s8, $0x5;
	s11 =	ssub.s32 s7, s31  }
0xb: {  	s5 =	sadd.s32 s1, s9;
	s6 =	sadd.s32 s3, s9;
	s7 =	sor.u32 $0x800, s9  }
0xc: {  	s9 =	sor.u32 $0x1000, s9;
	s10 =	sadd.s32 s10, s12;
	s12 =	simm.s32 $0x1  }
0xd: {  	v0 =	vimm.s32 $0x0;
	s8 =	sadd.s32 s1, s9;
	s9 =	sadd.s32 s3, s9;
	s11 =	smax.u32 s11, $0x1  }
.LBB2_1:
0xe: {  	s17 =	simm.s32 $0x10  }
0xf: {  	s20 =	sadd.s32 $0x0, s5;
	s18 =	simm.s32 $0x100;
	s19 =	simm.s32 $0x0  }
.LBB2_2:
0x10: {  	[tilespmem:s19], [sflag:$0x1] =	stream.linear.gather [hbm4b:s20+s4], $0x80, $0x38;
	[tilespmem:$0x10100] =	vst v63  }
0x11: {  	s20 =	smov.u32 s17;
	s19 =	smov.u32 s18;
	p0 =	sne.s32 s17, $0x7F0  }
.Ltmp0:
0x12: {  	s17 =	sadd.s32 $0x10, s17;
	(pc) =	sbr.rel @p0 .LBB2_2-.Ltmp0, $2  }
0x13: {  	_ =	sdelay $0x2  }
0x14: {  	s18 =	sadd.s32 $0x100, s18;
	s20 =	sadd.s32 s20, s5  }
0x15: {  	[tilespmem:s19], [sflag:$0x1] =	stream.linear.gather [hbm4b:s20+s4], $0x80, $0x38;
	[tilespmem:$0x10100] =	vst v63  }
0x16: {  	s17 =	simm.s32 $0x0;
	s18 =	simm.s32 $0x8000;
	s19 =	simm.s32 $0x0  }
.LBB2_4:
0x17: {  	p0 =	sne.s32 s19, $0x7F0  }
.Ltmp1:
0x18: {  	_ = 	snop;
	(pc) =	sbr.rel @p0 .LBB2_4-.Ltmp1, $4  }
0x19: {  	_ = 	snop  }
0x1a: {  	s20 =	sadd.s32 s19, s6  }
0x1b: {  	[tilespmem:s18], [sflag:$0x1] =	stream.linear.gather [hbm4b:s20+s17], $0x80, $0x38;
	[tilespmem:$0x10100] =	vst v63  }
0x1c: {  	s19 =	sadd.s32 $0x10, s19;
	s18 =	sadd.s32 $0x100, s18  }
0x1d: {  	v8 =	vimm.s32 $0x0  }
0x1e: {  	p1 =	por $0x1, $0x1;
	v6 =	vimm.s32 $0x0;
	v2 =	vimm.s32 $0x0;
	v1 =	vimm.s32 $0x0  }
.LBB2_6:
0x1f: {  	s17 =	sor.u32 s7, s17  }
0x20: {  	s19 =	simm.s32 $0x80;
	p0 =	por p1, p1;
	s18 =	sadd.s32 s1, s17  }
0x21: {  	s20 =	simm.s32 $0x10;
	s21 =	simm.s32 $0x180;
	s22 =	sadd.s32 $0x0, s18  }
.LBB2_7:
0x22: {  	[tilespmem:s19], [sflag:$0x2] =	stream.linear.gather [hbm4b:s22+s4], $0x80, $0x38;
	[tilespmem:$0x10100] =	vst v63  }
0x23: {  	s22 =	smov.u32 s20;
	s19 =	smov.u32 s21;
	p1 =	sne.s32 s20, $0x7F0  }
.Ltmp2:
0x24: {  	s20 =	sadd.s32 $0x10, s20;
	(pc) =	sbr.rel @p1 .LBB2_7-.Ltmp2, $2  }
0x25: {  	_ =	sdelay $0x2  }
0x26: {  	s21 =	sadd.s32 $0x100, s21;
	s22 =	sadd.s32 s22, s18  }
0x27: {  	[tilespmem:s19], [sflag:$0x2] =	stream.linear.gather [hbm4b:s22+s4], $0x80, $0x38;
	[tilespmem:$0x10100] =	vst v63  }
0x28: {  	s17 =	sadd.s32 s3, s17;
	s18 =	simm.s32 $0x8080  }
0x29: {  	s19 =	simm.s32 $0x10;
	s20 =	simm.s32 $0x8180;
	s21 =	sadd.s32 $0x0, s17  }
.LBB2_9:
0x2a: {  	[tilespmem:s18], [sflag:$0x2] =	stream.linear.gather [hbm4b:s21+s4], $0x80, $0x38;
	[tilespmem:$0x10100] =	vst v63  }
0x2b: {  	s21 =	smov.u32 s19;
	s18 =	smov.u32 s20;
	p1 =	sne.s32 s19, $0x7F0  }
.Ltmp3:
0x2c: {  	s19 =	sadd.s32 $0x10, s19;
	(pc) =	sbr.rel @p1 .LBB2_9-.Ltmp3, $2  }
0x2d: {  	_ =	sdelay $0x2  }
0x2e: {  	s20 =	sadd.s32 $0x100, s20;
	s21 =	sadd.s32 s21, s17  }
0x2f: {  	[tilespmem:s18], [sflag:$0x2] =	stream.linear.gather [hbm4b:s21+s4], $0x80, $0x38;
	[tilespmem:$0x10100] =	vst v63  }
0x30: {  	_ =	swait.ge [sflag:s12], $0x4000  }
0x31: {  	[sflag:s12] =	ssyncset.done $0x0  }
0x32: {  	[sflag:s12] =	ssyncadd.s32 $0xFFFFC000  }
0x33: {  	_ =	swait.ge [sflag:s12], $0x4000  }
0x34: {  	[sflag:s12] =	ssyncset.done $0x0  }
0x35: {  	s17 =	simm.s32 $0x0;
	[sflag:s12] =	ssyncadd.s32 $0xFFFFC000  }
0x36: {  	v7 =	vld [tilespmem:s17+$0x40]  }
0x37: {  	v3 =	vld [tilespmem:s17+$0x8060]  }
0x38: {  	v5 =	vld [tilespmem:s17+$0x8050]  }
0x39: {  	v9 =	vld [tilespmem:s17+$0x50]  }
0x3a: {  	v4 =	vld [tilespmem:s17+$0x8040]  }
0x3b: {  	v11 =	vld [tilespmem:s17+$0x8030]  }
0x3c: {  	v12 =	vld [tilespmem:s17+$0x30]  }
0x3d: {  	v16 =	vld [tilespmem:s17+$0x8010]  }
0x3e: {  	v17 =	vld [tilespmem:s17+$0x10]  }
0x3f: {  	v10 =	vld [tilespmem:s17+$0x20]  }
0x40: {  	v13 =	vld [tilespmem:s17+$0x8000]  }
0x41: {  	v15 =	vld [tilespmem:s17+$0x0]  }
0x42: {  	v14 =	vld [tilespmem:s17+$0x60];
	vm0 =	veq.s32 v4, $0x0;
	vm1 =	veq.s32 v11, $0x0;
	vm2 =	vlt.f32 v12, $5.000000000e-01  }
0x43: {  	vm3 =	veq.s32 v16, $0x0;
	v16 =	vadd.s32 v8, v16;
	v12 =	vld [tilespmem:s17+$0x70];
	vm4 =	vlt.f32 v17, $5.000000000e-01  }
0x44: {  	s18 =	simm.s32 $0x400;
	v8 =	vld [tilespmem:s17+$0x8020];
	vm2 =	vmand vm2, vm1;
	v11 =	vadd.s32 v11, v16;
	vm1 =	veq.s32 v3, $0x0  }
.LBB2_11:
0x45: {  	p1 =	sne.s32 s18, $0x1FC00;
	vm5 =	veq.s32 v13, $0x0;
	vm6 =	vlt.f32 v9, $5.000000000e-01;
	vm7 =	veq.s32 v5, $0x0;
	v16 =	vld [tilespmem:s17+$0x8070];
	s17 =	sshra.s32 s18, $0x2;
	s18 =	sadd.s32 $0x400, s18  }
0x46: {  	vm9 =	vlt.f32 v10, $5.000000000e-01;
	vm10 =	vlt.f32 v7, $5.000000000e-01;
	vm8 =	vlt.f32 v15, $5.000000000e-01;
	v7 =	vld [tilespmem:s17+$0x40]  }
0x47: {  	v6 =	vadd.s32 v6, v13;
	vm3 =	vmand vm4, vm3;
	v17 =	vld [tilespmem:s17+$0x8060];
	vm4 =	vlt.f32 v14, $5.000000000e-01  }
0x48: {  	vm0 =	vmand vm10, vm0;
	v14 =	vsel vm2, $0x1, v0;
	vm2 =	vmand vm6, vm7;
	v13 =	vld [tilespmem:s17+$0x8050]  }
0x49: {  	v15 =	vsel vm3, $0x1, v0;
	v18 =	vsel vm0, $0x1, v0;
	v19 =	vsel vm2, $0x1, v0;
	v9 =	vld [tilespmem:s17+$0x50]  }
0x4a: {  	vm1 =	vmand vm4, vm1;
	vm0 =	veq.s32 v8, $0x0;
	v20 =	vld [tilespmem:s17+$0x8040];
	vm2 =	veq.s32 v16, $0x0  }
0x4b: {  	vm3 =	vmand vm8, vm5;
	v22 =	vsel vm1, $0x1, v0;
	vm1 =	vlt.f32 v12, $5.000000000e-01;
	v21 =	vld [tilespmem:s17+$0x8030]  }
0x4c: {  	v12 =	vsel vm3, $0x1, v0;
	vm0 =	vmand vm9, vm0;
	vm1 =	vmand vm1, vm2;
	v10 =	vld [tilespmem:s17+$0x20]  }
0x4d: {  	v11 =	vadd.s32 v5, v11;
	v2 =	vadd.s32 v15, v2;
	v24 =	vsel vm1, $0x1, v0;
	v23 =	vld [tilespmem:s17+$0x30];
	v5 =	vmovc v13  }
0x4e: {  	v2 =	vadd.s32 v14, v2;
	v1 =	vadd.s32 v12, v1;
	v12 =	vsel vm0, $0x1, v0;
	v25 =	vld [tilespmem:s17+$0x8010]  }
0x4f: {  	v6 =	vadd.s32 v8, v6;
	v1 =	vadd.s32 v12, v1;
	v26 =	vld [tilespmem:s17+$0x10];
	vm0 =	veq.s32 v20, $0x0  }
.Ltmp4:
0x50: {  	v6 =	vadd.s32 v4, v6;
	v1 =	vadd.s32 v18, v1;
	v4 =	vmovc v20;
	v13 =	vld [tilespmem:s17+$0x8000];
	vm1 =	veq.s32 v21, $0x0;
	(pc) =	sbr.rel @p1 .LBB2_11-.Ltmp4, $4  }
0x51: {  	v2 =	vadd.s32 v19, v2;
	v6 =	vadd.s32 v3, v6;
	v3 =	vmovc v17;
	v1 =	vadd.s32 v22, v1;
	v15 =	vld [tilespmem:s17+$0x0]  }
0x52: {  	v8 =	vadd.s32 v16, v11;
	v2 =	vadd.s32 v24, v2;
	vm2 =	vlt.f32 v23, $5.000000000e-01;
	v14 =	vld [tilespmem:s17+$0x60]  }
0x53: {  	vm3 =	veq.s32 v25, $0x0;
	v11 =	vadd.s32 v8, v25;
	vm2 =	vmand vm2, vm1;
	v12 =	vld [tilespmem:s17+$0x70]  }
0x54: {  	vm1 =	veq.s32 v3, $0x0;
	vm4 =	vlt.f32 v26, $5.000000000e-01;
	v8 =	vld [tilespmem:s17+$0x8020];
	v11 =	vadd.s32 v21, v11  }
0x55: {  	vm5 =	veq.s32 v13, $0x0;
	vm6 =	vlt.f32 v9, $5.000000000e-01;
	vm7 =	veq.s32 v5, $0x0  }
0x56: {  	vm9 =	vlt.f32 v10, $5.000000000e-01;
	vm10 =	vlt.f32 v7, $5.000000000e-01;
	v6 =	vadd.s32 v6, v13  }
0x57: {  	vm3 =	vmand vm4, vm3;
	v7 =	vsel vm2, $0x1, v0;
	v5 =	vadd.s32 v5, v11  }
0x58: {  	vm8 =	vlt.f32 v15, $5.000000000e-01;
	vm0 =	vmand vm10, vm0;
	vm11 =	vmand vm6, vm7  }
0x59: {  	v9 =	vld [tilespmem:s17+$0x8070];
	v10 =	vsel vm3, $0x1, v0;
	vm15 =	vlt.f32 v14, $5.000000000e-01;
	v60 =	vsel vm0, $0x1, v0  }
0x5a: {  	v61 =	vsel vm11, $0x1, v0;
	vm14 =	vmand vm8, vm5;
	v2 =	vadd.s32 v10, v2  }
0x5b: {  	vm1 =	vmand vm15, vm1;
	vm15 =	vlt.f32 v12, $5.000000000e-01;
	v63 =	vsel vm14, $0x1, v0  }
0x5c: {  	v2 =	vadd.s32 v7, v2;
	vm12 =	veq.s32 v8, $0x0;
	v62 =	vsel vm1, $0x1, v0  }
.Ltmp5:
0x5d: {  	v1 =	vadd.s32 v63, v1;
	v6 =	vadd.s32 v8, v6;
	vm0 =	vmand vm9, vm12;
	(pc) =	sbr.rel @!p0 .LBB2_18-.Ltmp5, $4  }
0x5e: {  	v2 =	vadd.s32 v61, v2;
	vm13 =	veq.s32 v9, $0x0;
	v10 =	vsel vm0, $0x1, v0  }
0x5f: {  	v4 =	vadd.s32 v4, v6;
	vm1 =	vmand vm15, vm13;
	v1 =	vadd.s32 v10, v1  }
0x60: {  	v8 =	vadd.s32 v9, v5;
	v11 =	vsel vm1, $0x1, v0;
	v1 =	vadd.s32 v60, v1  }
0x61: {  	v6 =	vadd.s32 v3, v4;
	v2 =	vadd.s32 v11, v2;
	v1 =	vadd.s32 v62, v1  }
0x62: {  	s17 =	simm.s32 $0x0  }
0x63: {  	s18 =	simm.s32 $0x10;
	s20 =	sadd.s32 $0x0, s8;
	s19 =	simm.s32 $0x100  }
.LBB2_14:
0x64: {  	[tilespmem:s17], [sflag:$0x1] =	stream.linear.gather [hbm4b:s20+s4], $0x80, $0x38;
	[tilespmem:$0x10100] =	vst v63  }
0x65: {  	s20 =	smov.u32 s18;
	s17 =	smov.u32 s19;
	p1 =	sne.s32 s18, $0x7F0  }
.Ltmp6:
0x66: {  	s18 =	sadd.s32 $0x10, s18;
	(pc) =	sbr.rel @p1 .LBB2_14-.Ltmp6, $2  }
0x67: {  	_ =	sdelay $0x2  }
0x68: {  	s19 =	sadd.s32 $0x100, s19;
	s20 =	sadd.s32 s20, s8  }
0x69: {  	[tilespmem:s17], [sflag:$0x1] =	stream.linear.gather [hbm4b:s20+s4], $0x80, $0x38;
	[tilespmem:$0x10100] =	vst v63  }
0x6a: {  	s17 =	simm.s32 $0x8000  }
0x6b: {  	s18 =	simm.s32 $0x10;
	s20 =	sadd.s32 $0x0, s9;
	s19 =	simm.s32 $0x8100  }
.LBB2_16:
0x6c: {  	[tilespmem:s17], [sflag:$0x1] =	stream.linear.gather [hbm4b:s20+s4], $0x80, $0x38;
	[tilespmem:$0x10100] =	vst v63  }
0x6d: {  	s20 =	smov.u32 s18;
	s17 =	smov.u32 s19;
	p1 =	sne.s32 s18, $0x7F0  }
.Ltmp7:
0x6e: {  	s18 =	sadd.s32 $0x10, s18;
	(pc) =	sbr.rel @p1 .LBB2_16-.Ltmp7, $2  }
0x6f: {  	_ =	sdelay $0x2  }
0x70: {  	s19 =	sadd.s32 $0x100, s19;
	s20 =	sadd.s32 s20, s9  }
0x71: {  	[tilespmem:s17], [sflag:$0x1] =	stream.linear.gather [hbm4b:s20+s4], $0x80, $0x38;
	[tilespmem:$0x10100] =	vst v63  }
.LBB2_18:
0x72: {  	_ =	swait.ge [sflag:s13], $0x4000  }
0x73: {  	[sflag:s13] =	ssyncset.done $0x0  }
0x74: {  	[sflag:s13] =	ssyncadd.s32 $0xFFFFC000  }
0x75: {  	_ =	swait.ge [sflag:s13], $0x4000  }
0x76: {  	[sflag:s13] =	ssyncset.done $0x0  }
0x77: {  	s17 =	simm.s32 $0x0;
	[sflag:s13] =	ssyncadd.s32 $0xFFFFC000  }
0x78: {  	v7 =	vld [tilespmem:s17+$0xC0]  }
0x79: {  	v3 =	vld [tilespmem:s17+$0x80E0]  }
0x7a: {  	v5 =	vld [tilespmem:s17+$0x80D0]  }
0x7b: {  	v9 =	vld [tilespmem:s17+$0xD0]  }
0x7c: {  	v4 =	vld [tilespmem:s17+$0x80C0]  }
0x7d: {  	v11 =	vld [tilespmem:s17+$0x80B0]  }
0x7e: {  	v12 =	vld [tilespmem:s17+$0xB0]  }
0x7f: {  	v16 =	vld [tilespmem:s17+$0x8090]  }
0x80: {  	v17 =	vld [tilespmem:s17+$0x90]  }
0x81: {  	v10 =	vld [tilespmem:s17+$0xA0]  }
0x82: {  	v13 =	vld [tilespmem:s17+$0x8080]  }
0x83: {  	v15 =	vld [tilespmem:s17+$0x80]  }
0x84: {  	v14 =	vld [tilespmem:s17+$0xE0];
	vm0 =	veq.s32 v4, $0x0;
	vm1 =	veq.s32 v11, $0x0;
	vm2 =	vlt.f32 v12, $5.000000000e-01  }
0x85: {  	vm3 =	veq.s32 v16, $0x0;
	v16 =	vadd.s32 v8, v16;
	v12 =	vld [tilespmem:s17+$0xF0];
	vm4 =	vlt.f32 v17, $5.000000000e-01  }
0x86: {  	s18 =	simm.s32 $0x400;
	v8 =	vld [tilespmem:s17+$0x80A0];
	vm2 =	vmand vm2, vm1;
	v11 =	vadd.s32 v11, v16;
	vm1 =	veq.s32 v3, $0x0  }
.LBB2_19:
0x87: {  	p1 =	sne.s32 s18, $0x1FC00;
	vm5 =	veq.s32 v13, $0x0;
	vm6 =	vlt.f32 v9, $5.000000000e-01;
	vm7 =	veq.s32 v5, $0x0;
	v16 =	vld [tilespmem:s17+$0x80F0];
	s17 =	sshra.s32 s18, $0x2;
	s18 =	sadd.s32 $0x400, s18  }
0x88: {  	vm9 =	vlt.f32 v10, $5.000000000e-01;
	vm10 =	vlt.f32 v7, $5.000000000e-01;
	vm8 =	vlt.f32 v15, $5.000000000e-01;
	v7 =	vld [tilespmem:s17+$0xC0]  }
0x89: {  	v6 =	vadd.s32 v6, v13;
	vm3 =	vmand vm4, vm3;
	v17 =	vld [tilespmem:s17+$0x80E0];
	vm4 =	vlt.f32 v14, $5.000000000e-01  }
0x8a: {  	vm0 =	vmand vm10, vm0;
	v14 =	vsel vm2, $0x1, v0;
	vm2 =	vmand vm6, vm7;
	v13 =	vld [tilespmem:s17+$0x80D0]  }
0x8b: {  	v15 =	vsel vm3, $0x1, v0;
	v18 =	vsel vm0, $0x1, v0;
	v19 =	vsel vm2, $0x1, v0;
	v9 =	vld [tilespmem:s17+$0xD0]  }
0x8c: {  	vm1 =	vmand vm4, vm1;
	vm0 =	veq.s32 v8, $0x0;
	v20 =	vld [tilespmem:s17+$0x80C0];
	vm2 =	veq.s32 v16, $0x0  }
0x8d: {  	vm3 =	vmand vm8, vm5;
	v22 =	vsel vm1, $0x1, v0;
	vm1 =	vlt.f32 v12, $5.000000000e-01;
	v21 =	vld [tilespmem:s17+$0x80B0]  }
0x8e: {  	v12 =	vsel vm3, $0x1, v0;
	vm0 =	vmand vm9, vm0;
	vm1 =	vmand vm1, vm2;
	v10 =	vld [tilespmem:s17+$0xA0]  }
0x8f: {  	v11 =	vadd.s32 v5, v11;
	v2 =	vadd.s32 v15, v2;
	v24 =	vsel vm1, $0x1, v0;
	v23 =	vld [tilespmem:s17+$0xB0];
	v5 =	vmovc v13  }
0x90: {  	v2 =	vadd.s32 v14, v2;
	v1 =	vadd.s32 v12, v1;
	v12 =	vsel vm0, $0x1, v0;
	v25 =	vld [tilespmem:s17+$0x8090]  }
0x91: {  	v6 =	vadd.s32 v8, v6;
	v1 =	vadd.s32 v12, v1;
	v26 =	vld [tilespmem:s17+$0x90];
	vm0 =	veq.s32 v20, $0x0  }
.Ltmp8:
0x92: {  	v6 =	vadd.s32 v4, v6;
	v1 =	vadd.s32 v18, v1;
	v4 =	vmovc v20;
	v13 =	vld [tilespmem:s17+$0x8080];
	vm1 =	veq.s32 v21, $0x0;
	(pc) =	sbr.rel @p1 .LBB2_19-.Ltmp8, $4  }
0x93: {  	v2 =	vadd.s32 v19, v2;
	v6 =	vadd.s32 v3, v6;
	v3 =	vmovc v17;
	v1 =	vadd.s32 v22, v1;
	v15 =	vld [tilespmem:s17+$0x80]  }
0x94: {  	v8 =	vadd.s32 v16, v11;
	v2 =	vadd.s32 v24, v2;
	vm2 =	vlt.f32 v23, $5.000000000e-01;
	v14 =	vld [tilespmem:s17+$0xE0]  }
0x95: {  	vm3 =	veq.s32 v25, $0x0;
	v11 =	vadd.s32 v8, v25;
	vm2 =	vmand vm2, vm1;
	v12 =	vld [tilespmem:s17+$0xF0]  }
0x96: {  	vm1 =	veq.s32 v3, $0x0;
	vm4 =	vlt.f32 v26, $5.000000000e-01;
	v8 =	vld [tilespmem:s17+$0x80A0];
	v11 =	vadd.s32 v21, v11  }
0x97: {  	vm5 =	veq.s32 v13, $0x0;
	vm6 =	vlt.f32 v9, $5.000000000e-01;
	vm7 =	veq.s32 v5, $0x0  }
0x98: {  	vm9 =	vlt.f32 v10, $5.000000000e-01;
	vm10 =	vlt.f32 v7, $5.000000000e-01;
	v6 =	vadd.s32 v6, v13  }
0x99: {  	vm3 =	vmand vm4, vm3;
	v7 =	vsel vm2, $0x1, v0;
	v5 =	vadd.s32 v5, v11  }
0x9a: {  	vm8 =	vlt.f32 v15, $5.000000000e-01;
	vm0 =	vmand vm10, vm0;
	vm11 =	vmand vm6, vm7  }
0x9b: {  	v9 =	vld [tilespmem:s17+$0x80F0];
	v10 =	vsel vm3, $0x1, v0;
	vm15 =	vlt.f32 v14, $5.000000000e-01;
	v60 =	vsel vm0, $0x1, v0  }
0x9c: {  	v61 =	vsel vm11, $0x1, v0;
	vm14 =	vmand vm8, vm5;
	v2 =	vadd.s32 v10, v2  }
0x9d: {  	vm1 =	vmand vm15, vm1;
	vm15 =	vlt.f32 v12, $5.000000000e-01;
	v63 =	vsel vm14, $0x1, v0  }
0x9e: {  	v2 =	vadd.s32 v7, v2;
	vm12 =	veq.s32 v8, $0x0;
	v62 =	vsel vm1, $0x1, v0  }
.Ltmp9:
0x9f: {  	v1 =	vadd.s32 v63, v1;
	v6 =	vadd.s32 v8, v6;
	vm0 =	vmand vm9, vm12;
	(pc) =	sbr.rel @p0 .LBB2_6-.Ltmp9, $4  }
0xa0: {  	v2 =	vadd.s32 v61, v2;
	vm13 =	veq.s32 v9, $0x0;
	v10 =	vsel vm0, $0x1, v0  }
0xa1: {  	v4 =	vadd.s32 v4, v6;
	vm1 =	vmand vm15, vm13;
	v1 =	vadd.s32 v10, v1  }
0xa2: {  	v8 =	vadd.s32 v9, v5;
	v11 =	vsel vm1, $0x1, v0;
	v1 =	vadd.s32 v60, v1  }
0xa3: {  	s17 =	simm.s32 $0x1000;
	p1 =	por $0x0, $0x0;
	v6 =	vadd.s32 v3, v4;
	v2 =	vadd.s32 v11, v2;
	v1 =	vadd.s32 v62, v1  }
0xa4: {  	v1 =	vadd.s32 v1, v2;
	s16 =	sadd.s32 $0x1, s16  }
0xa5: {  	[tilespmem:$0x10000] =	vst v1;
	v1 =	vadd.s32 v6, v8;
	p0 =	sne.s32 s16, s11  }
.Ltmp10:
0xa6: {  	[tilespmem:$0x10080] =	vst v1;
	(pc) =	sbr.rel @p0 .LBB2_1-.Ltmp10, $4  }
0xa7: {  	[hbm4b:s10+s4] =	stream.linear.scatter [tilespmem:s14], [sflag:$0x3], $0x100, $0x38;
	[tilespmem:$0x10100] =	vst v63  }
0xa8: {  	_ =	swait.ge [sflag:s15], $0x100  }
0xa9: {  	[sflag:s15] =	ssyncset.done $0x0  }
0xaa: {  	[sflag:s15] =	ssyncadd.s32 $0xFFFFFF00  }
0xab: {  	_ =	sfence.sel $0x180000  }
0xac: {  	[bflag:$0x0] =	sbarrier.arrive $0xFFFF  }
0xad: {  	p0 =	sne.s32 s2, $0x0;
	_ =	strace $0x90000047  }
0xae: {  	s0 =	sadd.s32 @!p0 $0x100000, s0;
	[bflag:$0x2] =	sbarrier.arrive $0xFFFF  }
0xaf: {  	[sflag:s0] =	ssyncadd.tile.s32 @!p0 $0x1;
	_ =	shalt  }
.Lfunc_end2:
_tile_overlayer_lowered:
.L_overlay_start_2:
0xb0: {  	(tag) =	ssettag $0x2  }
0xb1: {  	s0 =	rddreg [dreg:$0x0];
	s2 =	stileid.u32  }
0xb2: {  	s1 =	rddreg [dreg:$0x1];
	p0 =	sne.s32 s2, $0x0  }
0xb3: {  	s3 =	rddreg [dreg:$0x2];
	[bflag:$0x3] =	sbarrier.arrive $0xFFFF;
	s2 =	simm.s32 @!p0 $0x1C03  }
0xb4: {  	[timem:s3], [sflag:s2] =	dma.local @!p0 [hbm:s0], s1  }
0xb5: {  	s0 =	simm.s32 @!p0 $0x3  }
0xb6: {  	_ =	swait.ge @!p0 [sflag:s0], s1  }
0xb7: {  	s1 =	ssub.s32 @!p0 $0x0, s1;
	[sflag:s0] =	ssyncset.done @!p0 $0x0  }
0xb8: {  	[sflag:s0] =	ssyncadd.s32 @!p0 s1  }
0xb9: {  	[bflag:$0x3] =	sbarrier.arrive $0xFFFF  }
0xba: {  	_ =	shalt  }

</sc_bundles>
